<compile_context>
chip_gen: v7x
topology: tpu7x:2x2x1
jax: 0.10.2.dev20260603
libtpu: 0.0.44.dev20260713+nightly
codegen_flags: <defaults>
</compile_context>

<pallas_src>
import functools

import jax
import jax.numpy as jnp
from jax.experimental import pallas as pl
from jax.experimental.pallas import tpu as pltpu

_NATTRS = 115
_NOBJS = 245
_NN = _NATTRS + _NOBJS
_NE = 1262
_NPAIRS = _NATTRS * _NOBJS
_BATCH = 1024
_TILE = 1024
_HID1 = 1000
_HID2 = 800

_F32 = jnp.float32
_BF16 = jnp.bfloat16


def _ln(x, g, b, eps=1e-5):
    m = jnp.mean(x, axis=-1, keepdims=True)
    v = jnp.mean((x - m) * (x - m), axis=-1, keepdims=True)
    return (x - m) * jax.lax.rsqrt(v + eps) * g + b


def _dot(a, b):
    return jnp.dot(a, b, preferred_element_type=_F32)


def _graph_body(nodes_ref, edge_ref, wl1_ref, bl1_ref, wr1_ref,
                wl2_ref, bl2_ref, wr2_ref, w1a_ref, w1b_ref, pb1_ref,
                at_ref, ot_ref, m_ref, r_ref):
    nodes = nodes_ref[...]
    src = edge_ref[0, :]
    dst = edge_ref[1, :]
    row = jax.lax.broadcasted_iota(jnp.int32, (_NN, _NE), 0)
    doh = (row == dst[None, :]).astype(_F32)
    soh = (row == src[None, :]).astype(_F32)
    m = jax.lax.dot_general(doh, soh, (((1,), (1,)), ((), ())),
                            preferred_element_type=_F32)
    cnt = jnp.sum(doh, axis=1)
    inv = 1.0 / jnp.maximum(cnt, 1.0)

    mean1 = _dot(m, nodes) * inv[:, None]
    h = jnp.maximum(_dot(mean1, wl1_ref[...]) + bl1_ref[...]
                    + _dot(nodes, wr1_ref[...]), 0.0)
    mean2 = _dot(m, h) * inv[:, None]
    enc = (_dot(mean2, wl2_ref[...]) + bl2_ref[...] + _dot(h, wr2_ref[...]))

    at = jax.lax.dot_general(w1a_ref[...], enc[:_NATTRS],
                             (((0,), (1,)), ((), ())),
                             preferred_element_type=_F32) + pb1_ref[...].T
    ot = jax.lax.dot_general(w1b_ref[...], enc[_NATTRS:],
                             (((0,), (1,)), ((), ())),
                             preferred_element_type=_F32)
    at_ref[...] = at
    ot_ref[...] = ot

    s_a = jnp.sum(at, axis=0)[:, None]
    s_o = jnp.sum(ot, axis=0)[None, :]
    sq_a = jnp.sum(at * at, axis=0)[:, None]
    sq_o = jnp.sum(ot * ot, axis=0)[None, :]
    cross = jax.lax.dot_general(at, ot, (((0,), (0,)), ((), ())),
                                preferred_element_type=_F32)
    mean_p = (s_a + s_o) * (1.0 / _HID1)
    var_p = (sq_a + 2.0 * cross + sq_o) * (1.0 / _HID1) - mean_p * mean_p
    m_ref[...] = mean_p
    r_ref[...] = jax.lax.rsqrt(var_p + 1e-5)


def _img_body(x_ref, w1_ref, b1_ref, g1_ref, be1_ref,
              w2_ref, b2_ref, g2_ref, be2_ref,
              w3_ref, b3_ref, g3_ref, be3_ref, out_ref):
    i = jnp.maximum(_ln(_dot(x_ref[...], w1_ref[...]) + b1_ref[...],
                        g1_ref[...], be1_ref[...]), 0.0)
    i = jnp.maximum(_ln(_dot(i, w2_ref[...]) + b2_ref[...],
                        g2_ref[...], be2_ref[...]), 0.0)
    out_ref[...] = _ln(_dot(i, w3_ref[...]) + b3_ref[...],
                       g3_ref[...], be3_ref[...])


_NT = (_NPAIRS + _TILE - 1) // _TILE
_TAIL = _NPAIRS - (_NT - 1) * _TILE


def _pair_body(at_ref, ot_ref, m_ref, r_ref, g1_ref, be1_ref,
               w2x_ref, b2x_ref, g2_ref, be2_ref, img_ref, out_ref, tail_ref,
               buf0, buf1, sem0, sem1):
    t = pl.program_id(0)
    c = t * _TILE + jax.lax.broadcasted_iota(jnp.int32, (1, _TILE), 1)
    a_iota = jax.lax.broadcasted_iota(jnp.int32, (_NATTRS + 1, 1), 0)
    ge = c >= a_iota * _NOBJS
    oh_i = jnp.logical_and(ge[:_NATTRS, :],
                           jnp.logical_not(ge[1:, :])).astype(_BF16)
    i_idx = jnp.sum(ge[1:, :].astype(jnp.int32), axis=0, keepdims=True)
    j_idx = c - _NOBJS * i_idx
    j_iota = jax.lax.broadcasted_iota(jnp.int32, (_NOBJS, 1), 0)
    oh_j = (j_idx == j_iota).astype(_BF16)

    pre = _dot(at_ref[...], oh_i) + _dot(ot_ref[...], oh_j)
    q = jnp.maximum((pre - m_ref[...]) * r_ref[...] * g1_ref[...]
                    + be1_ref[...], 0.0)
    zx = _dot(w2x_ref[...], q.astype(_BF16)) + b2x_ref[...]
    z = zx[:_HID2, :]
    m2 = zx[_HID2:, :]
    s2 = jnp.mean(z * z, axis=0, keepdims=True)
    r2 = jax.lax.rsqrt(s2 - m2 * m2 + 1e-5)
    ap = (z - m2) * r2 * g2_ref[...] + be2_ref[...]
    ob = _dot(img_ref[...], ap.astype(_BF16))

    even = (t % 2) == 0
    pre_l = jnp.logical_and(t >= 2, t < _NT - 1)

    @pl.when(jnp.logical_and(pre_l, even))
    def _():
        pltpu.make_async_copy(
            buf0, out_ref.at[:, pl.ds((t - 2) * _TILE, _TILE)], sem0).wait()

    @pl.when(jnp.logical_and(pre_l, jnp.logical_not(even)))
    def _():
        pltpu.make_async_copy(
            buf1, out_ref.at[:, pl.ds((t - 2) * _TILE, _TILE)], sem1).wait()

    @pl.when(t < _NT - 1)
    def _():
        @pl.when(even)
        def _():
            buf0[...] = ob
            pltpu.make_async_copy(
                buf0, out_ref.at[:, pl.ds(t * _TILE, _TILE)], sem0).start()

        @pl.when(jnp.logical_not(even))
        def _():
            buf1[...] = ob
            pltpu.make_async_copy(
                buf1, out_ref.at[:, pl.ds(t * _TILE, _TILE)], sem1).start()

    @pl.when(t == _NT - 1)
    def _():
        tail_ref[...] = ob[:, :_TAIL]
        obuf, osem = (buf1, sem1) if (_NT - 1) % 2 == 0 else (buf0, sem0)
        lbuf, lsem = (buf0, sem0) if (_NT - 1) % 2 == 0 else (buf1, sem1)
        pltpu.make_async_copy(
            obuf, out_ref.at[:, pl.ds((_NT - 2) * _TILE, _TILE)], osem).wait()
        pltpu.make_async_copy(
            lbuf, out_ref.at[:, pl.ds((_NT - 3) * _TILE, _TILE)], lsem).wait()


def _full(shape):
    return pl.BlockSpec(shape, lambda *_: tuple(0 for _ in shape))


def _padw(v):
    return jnp.pad(v, ((0, 0), (0, _NT * _TILE - _NPAIRS)))


def kernel(x_img, nodes, params, edge_index):
    p = params
    r = lambda v: v.reshape(1, -1)
    col = lambda v: v.reshape(-1, 1)

    at_mat, ot_mat, m_pair, r_pair = pl.pallas_call(
        _graph_body,
        out_shape=(jax.ShapeDtypeStruct((_HID1, _NATTRS), _F32),
                   jax.ShapeDtypeStruct((_HID1, _NOBJS), _F32),
                   jax.ShapeDtypeStruct((_NATTRS, _NOBJS), _F32),
                   jax.ShapeDtypeStruct((_NATTRS, _NOBJS), _F32)),
    )(nodes, edge_index,
      p['sWl1'], r(p['sbl1']), p['sWr1'],
      p['sWl2'], r(p['sbl2']), p['sWr2'],
      p['pW1'][:512], p['pW1'][512:], r(p['pb1']))

    img_feats = pl.pallas_call(
        _img_body,
        out_shape=jax.ShapeDtypeStruct((_BATCH, _HID2), _F32),
    )(x_img, p['iW1'], r(p['ib1']), r(p['ig1']), r(p['ibe1']),
      p['iW2'], r(p['ib2']), r(p['ig2']), r(p['ibe2']),
      p['iW3'], r(p['ib3']), r(p['ig3']), r(p['ibe3']))

    w2t = p['pW2'].T
    w2bar = jnp.mean(p['pW2'], axis=1)[None, :]
    w2x = jnp.concatenate([w2t, w2bar], axis=0)
    b2x = jnp.concatenate([p['pb2'], jnp.mean(p['pb2'])[None]])[:, None]

    grid = (pl.cdiv(_NPAIRS, _TILE),)
    pred, tail = pl.pallas_call(
        _pair_body,
        grid=grid,
        in_specs=[
            _full((_HID1, _NATTRS)), _full((_HID1, _NOBJS)),
            pl.BlockSpec((1, _TILE), lambda t: (0, t)),
            pl.BlockSpec((1, _TILE), lambda t: (0, t)),
            _full((_HID1, 1)), _full((_HID1, 1)),
            _full((_HID2 + 1, _HID1)), _full((_HID2 + 1, 1)),
            _full((_HID2, 1)), _full((_HID2, 1)),
            _full((_BATCH, _HID2)),
        ],
        out_specs=(pl.BlockSpec(memory_space=pl.ANY),
                   pl.BlockSpec((_BATCH, _TAIL), lambda t: (0, 0))),
        out_shape=(jax.ShapeDtypeStruct((_BATCH, _NPAIRS), _F32),
                   jax.ShapeDtypeStruct((_BATCH, _TAIL), _F32)),
        scratch_shapes=[pltpu.VMEM((_BATCH, _TILE), _F32),
                        pltpu.VMEM((_BATCH, _TILE), _F32),
                        pltpu.SemaphoreType.DMA,
                        pltpu.SemaphoreType.DMA],
        compiler_params=pltpu.CompilerParams(
            dimension_semantics=("arbitrary",),
            vmem_limit_bytes=100 * 1024 * 1024),
    )(at_mat.astype(_BF16), ot_mat.astype(_BF16),
      _padw(m_pair.reshape(1, _NPAIRS)), _padw(r_pair.reshape(1, _NPAIRS)),
      col(p['pg1']), col(p['pbe1']),
      w2x.astype(_BF16), b2x,
      col(p['pg2']), col(p['pbe2']), img_feats.astype(_BF16))

    return jax.lax.dynamic_update_slice(pred, tail, (0, (_NT - 1) * _TILE))

# --- scband reference (transcript-rebuilt; emitter-appended) ---
"""Pipeline reference for scband-gae-30571577213220 (READ-ONLY COPY).

The authoritative reference and input builder live on the scoring server;
editing this copy changes nothing except your own understanding.
"""

import jax, jax.numpy as jnp
import numpy as np

NATTRS = 115
NOBJS = 245
N_NODES = NATTRS + NOBJS
NODE_FEAT = 512
NODE_DIM = 512
HID = 2048
IMG_DIM = 512
SHARED = 800
BATCH = 1024
N_EDGES = 1262


def _ln(x, g, b, eps=1e-5):
    m = jnp.mean(x, axis=-1, keepdims=True)
    v = jnp.var(x, axis=-1, keepdims=True)
    return (x - m) / jnp.sqrt(v + eps) * g + b


def _sage(x, src, dst, Wl, bl, Wr):
    # PyG SAGEConv (mean aggr): out = lin_l(mean_{j->i} x_j) + lin_r(x_i)
    n = x.shape[0]
    s = jnp.zeros((n, x.shape[1]), x.dtype).at[dst].add(x[src])
    cnt = jnp.zeros((n,), x.dtype).at[dst].add(1.0)
    mean = s / jnp.clip(cnt, 1.0)[:, None]
    return mean @ Wl + bl + x @ Wr


def _params(key):
    ks = jax.random.split(key, 16)
    def w(i, shape, scale=0.02):
        return jax.random.normal(ks[i], shape, dtype=jnp.float32) * scale
    p = {}
    # GraphEncoder: SAGEConv(512->2048) -> ReLU -> Dropout -> SAGEConv(2048->512)
    p['sWl1'] = w(0, (NODE_FEAT, HID)); p['sbl1'] = jnp.zeros((HID,), jnp.float32); p['sWr1'] = w(1, (NODE_FEAT, HID))
    p['sWl2'] = w(2, (HID, NODE_DIM)); p['sbl2'] = jnp.zeros((NODE_DIM,), jnp.float32); p['sWr2'] = w(3, (HID, NODE_DIM))
    # img_fc: ParametricMLP(512, 800, [800, 1000], norm_output=True)
    p['iW1'] = w(4, (IMG_DIM, 800)); p['ib1'] = jnp.zeros((800,), jnp.float32)
    p['ig1'] = jnp.ones((800,), jnp.float32); p['ibe1'] = jnp.zeros((800,), jnp.float32)
    p['iW2'] = w(5, (800, 1000)); p['ib2'] = jnp.zeros((1000,), jnp.float32)
    p['ig2'] = jnp.ones((1000,), jnp.float32); p['ibe2'] = jnp.zeros((1000,), jnp.float32)
    p['iW3'] = w(6, (1000, SHARED)); p['ib3'] = jnp.zeros((SHARED,), jnp.float32)
    p['ig3'] = jnp.ones((SHARED,), jnp.float32); p['ibe3'] = jnp.zeros((SHARED,), jnp.float32)
    # pair_fc: ParametricMLP(1024, 800, [1000], norm_output=True)
    p['pW1'] = w(7, (2 * NODE_DIM, 1000)); p['pb1'] = jnp.zeros((1000,), jnp.float32)
    p['pg1'] = jnp.ones((1000,), jnp.float32); p['pbe1'] = jnp.zeros((1000,), jnp.float32)
    p['pW2'] = w(8, (1000, SHARED)); p['pb2'] = jnp.zeros((SHARED,), jnp.float32)
    p['pg2'] = jnp.ones((SHARED,), jnp.float32); p['pbe2'] = jnp.zeros((SHARED,), jnp.float32)
    return p


def setup_inputs(seed: int = 0):
    key = jax.random.key(seed)
    k1, k2, k3, k4 = jax.random.split(key, 4)
    x_img = jax.random.normal(k1, (BATCH, IMG_DIM), dtype=jnp.float32)
    nodes = jax.random.normal(k2, (N_NODES, NODE_FEAT), dtype=jnp.float32)
    # train_pair_edges: attr index -> obj index (objs offset by NATTRS)
    src = jax.random.randint(k3, (N_EDGES,), 0, NATTRS, dtype=jnp.int32)
    dst = jax.random.randint(jax.random.fold_in(k3, 1), (N_EDGES,), NATTRS, N_NODES, dtype=jnp.int32)
    edge_index = jnp.stack([src, dst], axis=0)
    params = _params(k4)
    return {"x_img": x_img, "nodes": nodes, "params": params, "edge_index": edge_index}


def _forward(x_img, nodes, params, edge_index):
    p = params
    src, dst = edge_index[0], edge_index[1]
    # gae.encode(nodes, train_pair_edges)
    h = _sage(nodes, src, dst, p['sWl1'], p['sbl1'], p['sWr1'])
    h = jax.nn.relu(h)  # dropout is identity in eval
    enc = _sage(h, src, dst, p['sWl2'], p['sbl2'], p['sWr2'])
    # img_fc(img)
    i = jax.nn.relu(_ln(x_img @ p['iW1'] + p['ib1'], p['ig1'], p['ibe1']))
    i = jax.nn.relu(_ln(i @ p['iW2'] + p['ib2'], p['ig2'], p['ibe2']))
    img_feats = _ln(i @ p['iW3'] + p['ib3'], p['ig3'], p['ibe3'])
    # get_all_pairs(nodes)
    attr_nodes = enc[:NATTRS]
    obj_nodes = enc[NATTRS:]
    pa = jnp.repeat(attr_nodes, NOBJS, axis=0)   # attr_nodes.repeat(1, nobjs).view(-1, d)
    po = jnp.tile(obj_nodes, (NATTRS, 1))        # obj_nodes.repeat(nattrs, 1)
    pair_in = jnp.concatenate([pa, po], axis=1)
    # pair_fc(all_pair_nodes)
    q = jax.nn.relu(_ln(pair_in @ p['pW1'] + p['pb1'], p['pg1'], p['pbe1']))
    all_pairs = _ln(q @ p['pW2'] + p['pb2'], p['pg2'], p['pbe2'])
    # pair_pred = img_feats @ all_pairs.T  (eval-mode return)
    return img_feats @ all_pairs.T


def reference(x_img, nodes, params, edge_index):
    return _forward(x_img, nodes, params, edge_index)

if __name__ == "__main__":
    import jax
    _d = setup_inputs()
    print(jax.jit(kernel)(*tuple(_d.values())))

</pallas_src>

<mosaic_0001>
module attributes {stable_mosaic.version = 14 : i64} {
  func.func @_img_body(%arg0: memref<1024x512xf32, #tpu.memory_space<vmem>>, %arg1: memref<512x800xf32, #tpu.memory_space<vmem>>, %arg2: memref<1x800xf32, #tpu.memory_space<vmem>>, %arg3: memref<1x800xf32, #tpu.memory_space<vmem>>, %arg4: memref<1x800xf32, #tpu.memory_space<vmem>>, %arg5: memref<800x1000xf32, #tpu.memory_space<vmem>>, %arg6: memref<1x1000xf32, #tpu.memory_space<vmem>>, %arg7: memref<1x1000xf32, #tpu.memory_space<vmem>>, %arg8: memref<1x1000xf32, #tpu.memory_space<vmem>>, %arg9: memref<1000x800xf32, #tpu.memory_space<vmem>>, %arg10: memref<1x800xf32, #tpu.memory_space<vmem>>, %arg11: memref<1x800xf32, #tpu.memory_space<vmem>>, %arg12: memref<1x800xf32, #tpu.memory_space<vmem>>, %arg13: memref<1024x800xf32, #tpu.memory_space<vmem>>) attributes {dimension_semantics = [], scalar_prefetch = 0 : i64, scratch_operands = 0 : i64, tpu.core_type = #tpu.core_type<tc>} {
    %get3A = arith.constant 0 : index
    %get3A_0 = arith.constant 0 : index
    %get3A_1 = vector.load %arg0[%get3A, %get3A_0] : memref<1024x512xf32, #tpu.memory_space<vmem>>, vector<1024x512xf32>
    %get3A_2 = arith.constant 0 : index
    %get3A_3 = arith.constant 0 : index
    %get3A_4 = vector.load %arg1[%get3A_2, %get3A_3] : memref<512x800xf32, #tpu.memory_space<vmem>>, vector<512x800xf32>
    %dot_general3A = arith.constant dense<0.000000e+00> : vector<1024x800xf32>
    %dot_general3A_5 = tpu.matmul %get3A_1, %get3A_4, %dot_general3A {dimension_numbers = #tpu.dot_dimension_numbers<[1], [0], [0], [1], [0, 0, 1, 1], [], []>, transpose_lhs_hint = false} : vector<1024x512xf32>, vector<512x800xf32>, vector<1024x800xf32> -> vector<1024x800xf32>
    %get3A_6 = arith.constant 0 : index
    %get3A_7 = arith.constant 0 : index
    %get3A_8 = vector.load %arg2[%get3A_6, %get3A_7] : memref<1x800xf32, #tpu.memory_space<vmem>>, vector<1x800xf32>
    %add3A = vector.broadcast %get3A_8 : vector<1x800xf32> to vector<1024x800xf32>
    %add3A_9 = arith.addf %dot_general3A_5, %add3A : vector<1024x800xf32>
    %get3A_10 = arith.constant 0 : index
    %get3A_11 = arith.constant 0 : index
    %get3A_12 = vector.load %arg3[%get3A_10, %get3A_11] : memref<1x800xf32, #tpu.memory_space<vmem>>, vector<1x800xf32>
    %get3A_13 = arith.constant 0 : index
    %get3A_14 = arith.constant 0 : index
    %get3A_15 = vector.load %arg4[%get3A_13, %get3A_14] : memref<1x800xf32, #tpu.memory_space<vmem>>, vector<1x800xf32>
    %reduce_sum3A = arith.constant dense<0.000000e+00> : vector<1024xf32>
    %reduce_sum3A_16 = vector.multi_reduction <add>, %add3A_9, %reduce_sum3A [1] : vector<1024x800xf32> to vector<1024xf32>
    %broadcast_in_dim3A = vector.shape_cast %reduce_sum3A_16 : vector<1024xf32> to vector<1024x1xf32>
    %div3A = arith.constant 8.000000e+02 : f32
    %div3A_17 = vector.broadcast %div3A : f32 to vector<1024x1xf32>
    %div3A_18 = arith.divf %broadcast_in_dim3A, %div3A_17 : vector<1024x1xf32>
    %jit3A = arith.constant 0 : i32
    %reduce_sum3A_19 = arith.constant dense<0.000000e+00> : vector<1024xf32>
    %reduce_sum3A_20 = vector.multi_reduction <add>, %add3A_9, %reduce_sum3A_19 [1] : vector<1024x800xf32> to vector<1024xf32>
    %broadcast_in_dim3A_21 = vector.shape_cast %reduce_sum3A_20 : vector<1024xf32> to vector<1024x1xf32>
    %div3A_22 = arith.constant 8.000000e+02 : f32
    %div3A_23 = vector.broadcast %div3A_22 : f32 to vector<1024x1xf32>
    %div3A_24 = arith.divf %broadcast_in_dim3A_21, %div3A_23 : vector<1024x1xf32>
    %sub3A = vector.broadcast %div3A_24 : vector<1024x1xf32> to vector<1024x800xf32>
    %sub3A_25 = arith.subf %add3A_9, %sub3A : vector<1024x800xf32>
    %square3A = arith.mulf %sub3A_25, %sub3A_25 : vector<1024x800xf32>
    %convert_element_type3A = arith.sitofp %jit3A : i32 to f32
    %sub3A_26 = arith.constant 8.000000e+02 : f32
    %sub3A_27 = arith.subf %sub3A_26, %convert_element_type3A : f32
    %reduce_sum3A_28 = arith.constant dense<0.000000e+00> : vector<1024xf32>
    %reduce_sum3A_29 = vector.multi_reduction <add>, %square3A, %reduce_sum3A_28 [1] : vector<1024x800xf32> to vector<1024xf32>
    %broadcast_in_dim3A_30 = vector.shape_cast %reduce_sum3A_29 : vector<1024xf32> to vector<1024x1xf32>
    %div3A_31 = vector.broadcast %sub3A_27 : f32 to vector<1024x1xf32>
    %div3A_32 = arith.divf %broadcast_in_dim3A_30, %div3A_31 : vector<1024x1xf32>
    %gt3A = arith.constant 0.000000e+00 : f32
    %gt3A_33 = arith.cmpf ogt, %sub3A_27, %gt3A : f32
    %jit3A_34 = arith.constant 0x7FC00000 : f32
    %broadcast_in_dim3A_35 = vector.broadcast %jit3A_34 : f32 to vector<1024x1xf32>
    %select_n3A = arith.select %gt3A_33, %div3A_32, %broadcast_in_dim3A_35 : vector<1024x1xf32>
    %sub3A_36 = vector.broadcast %div3A_18 : vector<1024x1xf32> to vector<1024x800xf32>
    %sub3A_37 = arith.subf %add3A_9, %sub3A_36 : vector<1024x800xf32>
    %add3A_38 = arith.constant 9.99999974E-6 : f32
    %add3A_39 = vector.broadcast %add3A_38 : f32 to vector<1024x1xf32>
    %add3A_40 = arith.addf %select_n3A, %add3A_39 : vector<1024x1xf32>
    %sqrt3A = math.sqrt %add3A_40 : vector<1024x1xf32>
    %div3A_41 = vector.broadcast %sqrt3A : vector<1024x1xf32> to vector<1024x800xf32>
    %div3A_42 = arith.divf %sub3A_37, %div3A_41 : vector<1024x800xf32>
    %mul3A = vector.broadcast %get3A_12 : vector<1x800xf32> to vector<1024x800xf32>
    %mul3A_43 = arith.mulf %div3A_42, %mul3A : vector<1024x800xf32>
    %add3A_44 = vector.broadcast %get3A_15 : vector<1x800xf32> to vector<1024x800xf32>
    %add3A_45 = arith.addf %mul3A_43, %add3A_44 : vector<1024x800xf32>
    %max3A = arith.constant 0.000000e+00 : f32
    %max3A_46 = vector.broadcast %max3A : f32 to vector<1024x800xf32>
    %max3A_47 = arith.maximumf %add3A_45, %max3A_46 : vector<1024x800xf32>
    %get3A_48 = arith.constant 0 : index
    %get3A_49 = arith.constant 0 : index
    %get3A_50 = vector.load %arg5[%get3A_48, %get3A_49] : memref<800x1000xf32, #tpu.memory_space<vmem>>, vector<800x1000xf32>
    %dot_general3A_51 = arith.constant dense<0.000000e+00> : vector<1024x1000xf32>
    %dot_general3A_52 = tpu.matmul %max3A_47, %get3A_50, %dot_general3A_51 {dimension_numbers = #tpu.dot_dimension_numbers<[1], [0], [0], [1], [0, 0, 1, 1], [], []>, transpose_lhs_hint = false} : vector<1024x800xf32>, vector<800x1000xf32>, vector<1024x1000xf32> -> vector<1024x1000xf32>
    %get3A_53 = arith.constant 0 : index
    %get3A_54 = arith.constant 0 : index
    %get3A_55 = vector.load %arg6[%get3A_53, %get3A_54] : memref<1x1000xf32, #tpu.memory_space<vmem>>, vector<1x1000xf32>
    %add3A_56 = vector.broadcast %get3A_55 : vector<1x1000xf32> to vector<1024x1000xf32>
    %add3A_57 = arith.addf %dot_general3A_52, %add3A_56 : vector<1024x1000xf32>
    %get3A_58 = arith.constant 0 : index
    %get3A_59 = arith.constant 0 : index
    %get3A_60 = vector.load %arg7[%get3A_58, %get3A_59] : memref<1x1000xf32, #tpu.memory_space<vmem>>, vector<1x1000xf32>
    %get3A_61 = arith.constant 0 : index
    %get3A_62 = arith.constant 0 : index
    %get3A_63 = vector.load %arg8[%get3A_61, %get3A_62] : memref<1x1000xf32, #tpu.memory_space<vmem>>, vector<1x1000xf32>
    %reduce_sum3A_64 = arith.constant dense<0.000000e+00> : vector<1024xf32>
    %reduce_sum3A_65 = vector.multi_reduction <add>, %add3A_57, %reduce_sum3A_64 [1] : vector<1024x1000xf32> to vector<1024xf32>
    %broadcast_in_dim3A_66 = vector.shape_cast %reduce_sum3A_65 : vector<1024xf32> to vector<1024x1xf32>
    %div3A_67 = arith.constant 1.000000e+03 : f32
    %div3A_68 = vector.broadcast %div3A_67 : f32 to vector<1024x1xf32>
    %div3A_69 = arith.divf %broadcast_in_dim3A_66, %div3A_68 : vector<1024x1xf32>
    %jit3A_70 = arith.constant 0 : i32
    %reduce_sum3A_71 = arith.constant dense<0.000000e+00> : vector<1024xf32>
    %reduce_sum3A_72 = vector.multi_reduction <add>, %add3A_57, %reduce_sum3A_71 [1] : vector<1024x1000xf32> to vector<1024xf32>
    %broadcast_in_dim3A_73 = vector.shape_cast %reduce_sum3A_72 : vector<1024xf32> to vector<1024x1xf32>
    %div3A_74 = arith.constant 1.000000e+03 : f32
    %div3A_75 = vector.broadcast %div3A_74 : f32 to vector<1024x1xf32>
    %div3A_76 = arith.divf %broadcast_in_dim3A_73, %div3A_75 : vector<1024x1xf32>
    %sub3A_77 = vector.broadcast %div3A_76 : vector<1024x1xf32> to vector<1024x1000xf32>
    %sub3A_78 = arith.subf %add3A_57, %sub3A_77 : vector<1024x1000xf32>
    %square3A_79 = arith.mulf %sub3A_78, %sub3A_78 : vector<1024x1000xf32>
    %convert_element_type3A_80 = arith.sitofp %jit3A_70 : i32 to f32
    %sub3A_81 = arith.constant 1.000000e+03 : f32
    %sub3A_82 = arith.subf %sub3A_81, %convert_element_type3A_80 : f32
    %reduce_sum3A_83 = arith.constant dense<0.000000e+00> : vector<1024xf32>
    %reduce_sum3A_84 = vector.multi_reduction <add>, %square3A_79, %reduce_sum3A_83 [1] : vector<1024x1000xf32> to vector<1024xf32>
    %broadcast_in_dim3A_85 = vector.shape_cast %reduce_sum3A_84 : vector<1024xf32> to vector<1024x1xf32>
    %div3A_86 = vector.broadcast %sub3A_82 : f32 to vector<1024x1xf32>
    %div3A_87 = arith.divf %broadcast_in_dim3A_85, %div3A_86 : vector<1024x1xf32>
    %gt3A_88 = arith.constant 0.000000e+00 : f32
    %gt3A_89 = arith.cmpf ogt, %sub3A_82, %gt3A_88 : f32
    %jit3A_90 = arith.constant 0x7FC00000 : f32
    %broadcast_in_dim3A_91 = vector.broadcast %jit3A_90 : f32 to vector<1024x1xf32>
    %select_n3A_92 = arith.select %gt3A_89, %div3A_87, %broadcast_in_dim3A_91 : vector<1024x1xf32>
    %sub3A_93 = vector.broadcast %div3A_69 : vector<1024x1xf32> to vector<1024x1000xf32>
    %sub3A_94 = arith.subf %add3A_57, %sub3A_93 : vector<1024x1000xf32>
    %add3A_95 = arith.constant 9.99999974E-6 : f32
    %add3A_96 = vector.broadcast %add3A_95 : f32 to vector<1024x1xf32>
    %add3A_97 = arith.addf %select_n3A_92, %add3A_96 : vector<1024x1xf32>
    %sqrt3A_98 = math.sqrt %add3A_97 : vector<1024x1xf32>
    %div3A_99 = vector.broadcast %sqrt3A_98 : vector<1024x1xf32> to vector<1024x1000xf32>
    %div3A_100 = arith.divf %sub3A_94, %div3A_99 : vector<1024x1000xf32>
    %mul3A_101 = vector.broadcast %get3A_60 : vector<1x1000xf32> to vector<1024x1000xf32>
    %mul3A_102 = arith.mulf %div3A_100, %mul3A_101 : vector<1024x1000xf32>
    %add3A_103 = vector.broadcast %get3A_63 : vector<1x1000xf32> to vector<1024x1000xf32>
    %add3A_104 = arith.addf %mul3A_102, %add3A_103 : vector<1024x1000xf32>
    %max3A_105 = arith.constant 0.000000e+00 : f32
    %max3A_106 = vector.broadcast %max3A_105 : f32 to vector<1024x1000xf32>
    %max3A_107 = arith.maximumf %add3A_104, %max3A_106 : vector<1024x1000xf32>
    %get3A_108 = arith.constant 0 : index
    %get3A_109 = arith.constant 0 : index
    %get3A_110 = vector.load %arg9[%get3A_108, %get3A_109] : memref<1000x800xf32, #tpu.memory_space<vmem>>, vector<1000x800xf32>
    %dot_general3A_111 = arith.constant dense<0.000000e+00> : vector<1024x800xf32>
    %dot_general3A_112 = tpu.matmul %max3A_107, %get3A_110, %dot_general3A_111 {dimension_numbers = #tpu.dot_dimension_numbers<[1], [0], [0], [1], [0, 0, 1, 1], [], []>, transpose_lhs_hint = false} : vector<1024x1000xf32>, vector<1000x800xf32>, vector<1024x800xf32> -> vector<1024x800xf32>
    %get3A_113 = arith.constant 0 : index
    %get3A_114 = arith.constant 0 : index
    %get3A_115 = vector.load %arg10[%get3A_113, %get3A_114] : memref<1x800xf32, #tpu.memory_space<vmem>>, vector<1x800xf32>
    %add3A_116 = vector.broadcast %get3A_115 : vector<1x800xf32> to vector<1024x800xf32>
    %add3A_117 = arith.addf %dot_general3A_112, %add3A_116 : vector<1024x800xf32>
    %get3A_118 = arith.constant 0 : index
    %get3A_119 = arith.constant 0 : index
    %get3A_120 = vector.load %arg11[%get3A_118, %get3A_119] : memref<1x800xf32, #tpu.memory_space<vmem>>, vector<1x800xf32>
    %get3A_121 = arith.constant 0 : index
    %get3A_122 = arith.constant 0 : index
    %get3A_123 = vector.load %arg12[%get3A_121, %get3A_122] : memref<1x800xf32, #tpu.memory_space<vmem>>, vector<1x800xf32>
    %reduce_sum3A_124 = arith.constant dense<0.000000e+00> : vector<1024xf32>
    %reduce_sum3A_125 = vector.multi_reduction <add>, %add3A_117, %reduce_sum3A_124 [1] : vector<1024x800xf32> to vector<1024xf32>
    %broadcast_in_dim3A_126 = vector.shape_cast %reduce_sum3A_125 : vector<1024xf32> to vector<1024x1xf32>
    %div3A_127 = arith.constant 8.000000e+02 : f32
    %div3A_128 = vector.broadcast %div3A_127 : f32 to vector<1024x1xf32>
    %div3A_129 = arith.divf %broadcast_in_dim3A_126, %div3A_128 : vector<1024x1xf32>
    %jit3A_130 = arith.constant 0 : i32
    %reduce_sum3A_131 = arith.constant dense<0.000000e+00> : vector<1024xf32>
    %reduce_sum3A_132 = vector.multi_reduction <add>, %add3A_117, %reduce_sum3A_131 [1] : vector<1024x800xf32> to vector<1024xf32>
    %broadcast_in_dim3A_133 = vector.shape_cast %reduce_sum3A_132 : vector<1024xf32> to vector<1024x1xf32>
    %div3A_134 = arith.constant 8.000000e+02 : f32
    %div3A_135 = vector.broadcast %div3A_134 : f32 to vector<1024x1xf32>
    %div3A_136 = arith.divf %broadcast_in_dim3A_133, %div3A_135 : vector<1024x1xf32>
    %sub3A_137 = vector.broadcast %div3A_136 : vector<1024x1xf32> to vector<1024x800xf32>
    %sub3A_138 = arith.subf %add3A_117, %sub3A_137 : vector<1024x800xf32>
    %square3A_139 = arith.mulf %sub3A_138, %sub3A_138 : vector<1024x800xf32>
    %convert_element_type3A_140 = arith.sitofp %jit3A_130 : i32 to f32
    %sub3A_141 = arith.constant 8.000000e+02 : f32
    %sub3A_142 = arith.subf %sub3A_141, %convert_element_type3A_140 : f32
    %reduce_sum3A_143 = arith.constant dense<0.000000e+00> : vector<1024xf32>
    %reduce_sum3A_144 = vector.multi_reduction <add>, %square3A_139, %reduce_sum3A_143 [1] : vector<1024x800xf32> to vector<1024xf32>
    %broadcast_in_dim3A_145 = vector.shape_cast %reduce_sum3A_144 : vector<1024xf32> to vector<1024x1xf32>
    %div3A_146 = vector.broadcast %sub3A_142 : f32 to vector<1024x1xf32>
    %div3A_147 = arith.divf %broadcast_in_dim3A_145, %div3A_146 : vector<1024x1xf32>
    %gt3A_148 = arith.constant 0.000000e+00 : f32
    %gt3A_149 = arith.cmpf ogt, %sub3A_142, %gt3A_148 : f32
    %jit3A_150 = arith.constant 0x7FC00000 : f32
    %broadcast_in_dim3A_151 = vector.broadcast %jit3A_150 : f32 to vector<1024x1xf32>
    %select_n3A_152 = arith.select %gt3A_149, %div3A_147, %broadcast_in_dim3A_151 : vector<1024x1xf32>
    %sub3A_153 = vector.broadcast %div3A_129 : vector<1024x1xf32> to vector<1024x800xf32>
    %sub3A_154 = arith.subf %add3A_117, %sub3A_153 : vector<1024x800xf32>
    %add3A_155 = arith.constant 9.99999974E-6 : f32
    %add3A_156 = vector.broadcast %add3A_155 : f32 to vector<1024x1xf32>
    %add3A_157 = arith.addf %select_n3A_152, %add3A_156 : vector<1024x1xf32>
    %sqrt3A_158 = math.sqrt %add3A_157 : vector<1024x1xf32>
    %div3A_159 = vector.broadcast %sqrt3A_158 : vector<1024x1xf32> to vector<1024x800xf32>
    %div3A_160 = arith.divf %sub3A_154, %div3A_159 : vector<1024x800xf32>
    %mul3A_161 = vector.broadcast %get3A_120 : vector<1x800xf32> to vector<1024x800xf32>
    %mul3A_162 = arith.mulf %div3A_160, %mul3A_161 : vector<1024x800xf32>
    %add3A_163 = vector.broadcast %get3A_123 : vector<1x800xf32> to vector<1024x800xf32>
    %add3A_164 = arith.addf %mul3A_162, %add3A_163 : vector<1024x800xf32>
    %swap3A = arith.constant 0 : index
    %swap3A_165 = arith.constant 0 : index
    %swap3A_166 = vector.load %arg13[%swap3A, %swap3A_165] : memref<1024x800xf32, #tpu.memory_space<vmem>>, vector<1024x800xf32>
    tpu.vector_store %arg13[%swap3A, %swap3A_165], %add3A_164 {strides = array<i32>} : memref<1024x800xf32, #tpu.memory_space<vmem>>, vector<1024x800xf32>,
    return
  }
}

module attributes {stable_mosaic.version = 14 : i64} {
  func.func @_graph_body(%arg0: memref<360x512xf32, #tpu.memory_space<vmem>>, %arg1: memref<2x1262xi32, #tpu.memory_space<vmem>>, %arg2: memref<512x2048xf32, #tpu.memory_space<vmem>>, %arg3: memref<1x2048xf32, #tpu.memory_space<vmem>>, %arg4: memref<512x2048xf32, #tpu.memory_space<vmem>>, %arg5: memref<2048x512xf32, #tpu.memory_space<vmem>>, %arg6: memref<1x512xf32, #tpu.memory_space<vmem>>, %arg7: memref<2048x512xf32, #tpu.memory_space<vmem>>, %arg8: memref<512x1000xf32, #tpu.memory_space<vmem>>, %arg9: memref<512x1000xf32, #tpu.memory_space<vmem>>, %arg10: memref<1x1000xf32, #tpu.memory_space<vmem>>, %arg11: memref<1000x115xf32, #tpu.memory_space<vmem>>, %arg12: memref<1000x245xf32, #tpu.memory_space<vmem>>, %arg13: memref<115x245xf32, #tpu.memory_space<vmem>>, %arg14: memref<115x245xf32, #tpu.memory_space<vmem>>) attributes {dimension_semantics = [], scalar_prefetch = 0 : i64, scratch_operands = 0 : i64, tpu.core_type = #tpu.core_type<tc>} {
    %get3A = arith.constant 0 : index
    %get3A_0 = arith.constant 0 : index
    %get3A_1 = vector.load %arg0[%get3A, %get3A_0] : memref<360x512xf32, #tpu.memory_space<vmem>>, vector<360x512xf32>
    %get3A_2 = arith.constant 0 : index
    %get3A_3 = arith.constant 0 : index
    %get3A_4 = vector.load %arg1[%get3A_2, %get3A_3] : memref<2x1262xi32, #tpu.memory_space<vmem>>, vector<1x1262xi32>
    %get3A_5 = vector.shape_cast %get3A_4 : vector<1x1262xi32> to vector<1262xi32>
    %get3A_6 = arith.constant 1 : index
    %get3A_7 = arith.constant 0 : index
    %get3A_8 = vector.load %arg1[%get3A_6, %get3A_7] : memref<2x1262xi32, #tpu.memory_space<vmem>>, vector<1x1262xi32>
    %get3A_9 = vector.shape_cast %get3A_8 : vector<1x1262xi32> to vector<1262xi32>
    %iota3A = tpu.iota {dimensions = array<i32: 0>} : vector<360x1262xi32>
    %broadcast_in_dim3A = vector.shape_cast %get3A_9 : vector<1262xi32> to vector<1x1262xi32>
    %eq3A = vector.broadcast %broadcast_in_dim3A : vector<1x1262xi32> to vector<360x1262xi32>
    %eq3A_10 = arith.cmpi eq, %iota3A, %eq3A : vector<360x1262xi32>
    %convert_element_type3A = arith.extui %eq3A_10 : vector<360x1262xi1> to vector<360x1262xi32>
    %convert_element_type3A_11 = arith.sitofp %convert_element_type3A : vector<360x1262xi32> to vector<360x1262xf32>
    %broadcast_in_dim3A_12 = vector.shape_cast %get3A_5 : vector<1262xi32> to vector<1x1262xi32>
    %eq3A_13 = vector.broadcast %broadcast_in_dim3A_12 : vector<1x1262xi32> to vector<360x1262xi32>
    %eq3A_14 = arith.cmpi eq, %iota3A, %eq3A_13 : vector<360x1262xi32>
    %convert_element_type3A_15 = arith.extui %eq3A_14 : vector<360x1262xi1> to vector<360x1262xi32>
    %convert_element_type3A_16 = arith.sitofp %convert_element_type3A_15 : vector<360x1262xi32> to vector<360x1262xf32>
    %dot_general3A = arith.constant dense<0.000000e+00> : vector<360x360xf32>
    %dot_general3A_17 = tpu.matmul %convert_element_type3A_11, %convert_element_type3A_16, %dot_general3A {dimension_numbers = #tpu.dot_dimension_numbers<[1], [1], [0], [0], [0, 0, 1, 0], [], []>, transpose_lhs_hint = false} : vector<360x1262xf32>, vector<360x1262xf32>, vector<360x360xf32> -> vector<360x360xf32>
    %reduce_sum3A = arith.constant dense<0.000000e+00> : vector<360xf32>
    %reduce_sum3A_18 = vector.multi_reduction <add>, %convert_element_type3A_11, %reduce_sum3A [1] : vector<360x1262xf32> to vector<360xf32>
    %max3A = arith.constant 1.000000e+00 : f32
    %max3A_19 = vector.broadcast %max3A : f32 to vector<360xf32>
    %max3A_20 = arith.maximumf %reduce_sum3A_18, %max3A_19 : vector<360xf32>
    %div3A = arith.constant 1.000000e+00 : f32
    %div3A_21 = vector.broadcast %div3A : f32 to vector<360xf32>
    %div3A_22 = arith.divf %div3A_21, %max3A_20 : vector<360xf32>
    %dot_general3A_23 = arith.constant dense<0.000000e+00> : vector<360x512xf32>
    %dot_general3A_24 = tpu.matmul %dot_general3A_17, %get3A_1, %dot_general3A_23 {dimension_numbers = #tpu.dot_dimension_numbers<[1], [0], [0], [1], [0, 0, 1, 1], [], []>, transpose_lhs_hint = false} : vector<360x360xf32>, vector<360x512xf32>, vector<360x512xf32> -> vector<360x512xf32>
    %broadcast_in_dim3A_25 = vector.shape_cast %div3A_22 : vector<360xf32> to vector<360x1xf32>
    %mul3A = vector.broadcast %broadcast_in_dim3A_25 : vector<360x1xf32> to vector<360x512xf32>
    %mul3A_26 = arith.mulf %dot_general3A_24, %mul3A : vector<360x512xf32>
    %get3A_27 = arith.constant 0 : index
    %get3A_28 = arith.constant 0 : index
    %get3A_29 = vector.load %arg2[%get3A_27, %get3A_28] : memref<512x2048xf32, #tpu.memory_space<vmem>>, vector<512x2048xf32>
    %dot_general3A_30 = arith.constant dense<0.000000e+00> : vector<360x2048xf32>
    %dot_general3A_31 = tpu.matmul %mul3A_26, %get3A_29, %dot_general3A_30 {dimension_numbers = #tpu.dot_dimension_numbers<[1], [0], [0], [1], [0, 0, 1, 1], [], []>, transpose_lhs_hint = false} : vector<360x512xf32>, vector<512x2048xf32>, vector<360x2048xf32> -> vector<360x2048xf32>
    %get3A_32 = arith.constant 0 : index
    %get3A_33 = arith.constant 0 : index
    %get3A_34 = vector.load %arg3[%get3A_32, %get3A_33] : memref<1x2048xf32, #tpu.memory_space<vmem>>, vector<1x2048xf32>
    %add3A = vector.broadcast %get3A_34 : vector<1x2048xf32> to vector<360x2048xf32>
    %add3A_35 = arith.addf %dot_general3A_31, %add3A : vector<360x2048xf32>
    %get3A_36 = arith.constant 0 : index
    %get3A_37 = arith.constant 0 : index
    %get3A_38 = vector.load %arg4[%get3A_36, %get3A_37] : memref<512x2048xf32, #tpu.memory_space<vmem>>, vector<512x2048xf32>
    %dot_general3A_39 = arith.constant dense<0.000000e+00> : vector<360x2048xf32>
    %dot_general3A_40 = tpu.matmul %get3A_1, %get3A_38, %dot_general3A_39 {dimension_numbers = #tpu.dot_dimension_numbers<[1], [0], [0], [1], [0, 0, 1, 1], [], []>, transpose_lhs_hint = false} : vector<360x512xf32>, vector<512x2048xf32>, vector<360x2048xf32> -> vector<360x2048xf32>
    %add3A_41 = arith.addf %add3A_35, %dot_general3A_40 : vector<360x2048xf32>
    %max3A_42 = arith.constant 0.000000e+00 : f32
    %max3A_43 = vector.broadcast %max3A_42 : f32 to vector<360x2048xf32>
    %max3A_44 = arith.maximumf %add3A_41, %max3A_43 : vector<360x2048xf32>
    %dot_general3A_45 = arith.constant dense<0.000000e+00> : vector<360x2048xf32>
    %dot_general3A_46 = tpu.matmul %dot_general3A_17, %max3A_44, %dot_general3A_45 {dimension_numbers = #tpu.dot_dimension_numbers<[1], [0], [0], [1], [0, 0, 1, 1], [], []>, transpose_lhs_hint = false} : vector<360x360xf32>, vector<360x2048xf32>, vector<360x2048xf32> -> vector<360x2048xf32>
    %broadcast_in_dim3A_47 = vector.shape_cast %div3A_22 : vector<360xf32> to vector<360x1xf32>
    %mul3A_48 = vector.broadcast %broadcast_in_dim3A_47 : vector<360x1xf32> to vector<360x2048xf32>
    %mul3A_49 = arith.mulf %dot_general3A_46, %mul3A_48 : vector<360x2048xf32>
    %get3A_50 = arith.constant 0 : index
    %get3A_51 = arith.constant 0 : index
    %get3A_52 = vector.load %arg5[%get3A_50, %get3A_51] : memref<2048x512xf32, #tpu.memory_space<vmem>>, vector<2048x512xf32>
    %dot_general3A_53 = arith.constant dense<0.000000e+00> : vector<360x512xf32>
    %dot_general3A_54 = tpu.matmul %mul3A_49, %get3A_52, %dot_general3A_53 {dimension_numbers = #tpu.dot_dimension_numbers<[1], [0], [0], [1], [0, 0, 1, 1], [], []>, transpose_lhs_hint = false} : vector<360x2048xf32>, vector<2048x512xf32>, vector<360x512xf32> -> vector<360x512xf32>
    %get3A_55 = arith.constant 0 : index
    %get3A_56 = arith.constant 0 : index
    %get3A_57 = vector.load %arg6[%get3A_55, %get3A_56] : memref<1x512xf32, #tpu.memory_space<vmem>>, vector<1x512xf32>
    %add3A_58 = vector.broadcast %get3A_57 : vector<1x512xf32> to vector<360x512xf32>
    %add3A_59 = arith.addf %dot_general3A_54, %add3A_58 : vector<360x512xf32>
    %get3A_60 = arith.constant 0 : index
    %get3A_61 = arith.constant 0 : index
    %get3A_62 = vector.load %arg7[%get3A_60, %get3A_61] : memref<2048x512xf32, #tpu.memory_space<vmem>>, vector<2048x512xf32>
    %dot_general3A_63 = arith.constant dense<0.000000e+00> : vector<360x512xf32>
    %dot_general3A_64 = tpu.matmul %max3A_44, %get3A_62, %dot_general3A_63 {dimension_numbers = #tpu.dot_dimension_numbers<[1], [0], [0], [1], [0, 0, 1, 1], [], []>, transpose_lhs_hint = false} : vector<360x2048xf32>, vector<2048x512xf32>, vector<360x512xf32> -> vector<360x512xf32>
    %add3A_65 = arith.addf %add3A_59, %dot_general3A_64 : vector<360x512xf32>
    %get3A_66 = arith.constant 0 : index
    %get3A_67 = arith.constant 0 : index
    %get3A_68 = vector.load %arg8[%get3A_66, %get3A_67] : memref<512x1000xf32, #tpu.memory_space<vmem>>, vector<512x1000xf32>
    %slice3A = vector.extract_strided_slice %add3A_65 {offsets = [0, 0], sizes = [115, 512], strides = [1, 1]} : vector<360x512xf32> to vector<115x512xf32>
    %dot_general3A_69 = arith.constant dense<0.000000e+00> : vector<1000x115xf32>
    %dot_general3A_70 = tpu.matmul %get3A_68, %slice3A, %dot_general3A_69 {dimension_numbers = #tpu.dot_dimension_numbers<[0], [1], [1], [0], [0, 1, 1, 0], [], []>, transpose_lhs_hint = false} : vector<512x1000xf32>, vector<115x512xf32>, vector<1000x115xf32> -> vector<1000x115xf32>
    %get3A_71 = arith.constant 0 : index
    %get3A_72 = arith.constant 0 : index
    %get3A_73 = vector.load %arg10[%get3A_71, %get3A_72] : memref<1x1000xf32, #tpu.memory_space<vmem>>, vector<1x1000xf32>
    %transpose3A = tpu.transpose %get3A_73, [1, 0] : vector<1x1000xf32> -> vector<1000x1xf32>
    %add3A_74 = vector.broadcast %transpose3A : vector<1000x1xf32> to vector<1000x115xf32>
    %add3A_75 = arith.addf %dot_general3A_70, %add3A_74 : vector<1000x115xf32>
    %get3A_76 = arith.constant 0 : index
    %get3A_77 = arith.constant 0 : index
    %get3A_78 = vector.load %arg9[%get3A_76, %get3A_77] : memref<512x1000xf32, #tpu.memory_space<vmem>>, vector<512x1000xf32>
    %slice3A_79 = vector.extract_strided_slice %add3A_65 {offsets = [115, 0], sizes = [245, 512], strides = [1, 1]} : vector<360x512xf32> to vector<245x512xf32>
    %dot_general3A_80 = arith.constant dense<0.000000e+00> : vector<1000x245xf32>
    %dot_general3A_81 = tpu.matmul %get3A_78, %slice3A_79, %dot_general3A_80 {dimension_numbers = #tpu.dot_dimension_numbers<[0], [1], [1], [0], [0, 1, 1, 0], [], []>, transpose_lhs_hint = false} : vector<512x1000xf32>, vector<245x512xf32>, vector<1000x245xf32> -> vector<1000x245xf32>
    %swap3A = arith.constant 0 : index
    %swap3A_82 = arith.constant 0 : index
    %swap3A_83 = vector.load %arg11[%swap3A, %swap3A_82] : memref<1000x115xf32, #tpu.memory_space<vmem>>, vector<1000x115xf32>
    tpu.vector_store %arg11[%swap3A, %swap3A_82], %add3A_75 {strides = array<i32>} : memref<1000x115xf32, #tpu.memory_space<vmem>>, vector<1000x115xf32>,
    %swap3A_84 = arith.constant 0 : index
    %swap3A_85 = arith.constant 0 : index
    %swap3A_86 = vector.load %arg12[%swap3A_84, %swap3A_85] : memref<1000x245xf32, #tpu.memory_space<vmem>>, vector<1000x245xf32>
    tpu.vector_store %arg12[%swap3A_84, %swap3A_85], %dot_general3A_81 {strides = array<i32>} : memref<1000x245xf32, #tpu.memory_space<vmem>>, vector<1000x245xf32>,
    %reduce_sum3A_87 = arith.constant dense<0.000000e+00> : vector<115xf32>
    %reduce_sum3A_88 = vector.multi_reduction <add>, %add3A_75, %reduce_sum3A_87 [0] : vector<1000x115xf32> to vector<115xf32>
    %broadcast_in_dim3A_89 = vector.shape_cast %reduce_sum3A_88 : vector<115xf32> to vector<115x1xf32>
    %reduce_sum3A_90 = arith.constant dense<0.000000e+00> : vector<245xf32>
    %reduce_sum3A_91 = vector.multi_reduction <add>, %dot_general3A_81, %reduce_sum3A_90 [0] : vector<1000x245xf32> to vector<245xf32>
    %broadcast_in_dim3A_92 = vector.shape_cast %reduce_sum3A_91 : vector<245xf32> to vector<1x245xf32>
    %mul3A_93 = arith.mulf %add3A_75, %add3A_75 : vector<1000x115xf32>
    %reduce_sum3A_94 = arith.constant dense<0.000000e+00> : vector<115xf32>
    %reduce_sum3A_95 = vector.multi_reduction <add>, %mul3A_93, %reduce_sum3A_94 [0] : vector<1000x115xf32> to vector<115xf32>
    %broadcast_in_dim3A_96 = vector.shape_cast %reduce_sum3A_95 : vector<115xf32> to vector<115x1xf32>
    %mul3A_97 = arith.mulf %dot_general3A_81, %dot_general3A_81 : vector<1000x245xf32>
    %reduce_sum3A_98 = arith.constant dense<0.000000e+00> : vector<245xf32>
    %reduce_sum3A_99 = vector.multi_reduction <add>, %mul3A_97, %reduce_sum3A_98 [0] : vector<1000x245xf32> to vector<245xf32>
    %broadcast_in_dim3A_100 = vector.shape_cast %reduce_sum3A_99 : vector<245xf32> to vector<1x245xf32>
    %dot_general3A_101 = arith.constant dense<0.000000e+00> : vector<115x245xf32>
    %dot_general3A_102 = tpu.matmul %add3A_75, %dot_general3A_81, %dot_general3A_101 {dimension_numbers = #tpu.dot_dimension_numbers<[0], [0], [1], [1], [0, 1, 1, 1], [], []>, transpose_lhs_hint = false} : vector<1000x115xf32>, vector<1000x245xf32>, vector<115x245xf32> -> vector<115x245xf32>
    %add3A_103 = vector.broadcast %broadcast_in_dim3A_89 : vector<115x1xf32> to vector<115x245xf32>
    %add3A_104 = vector.broadcast %broadcast_in_dim3A_92 : vector<1x245xf32> to vector<115x245xf32>
    %add3A_105 = arith.addf %add3A_103, %add3A_104 : vector<115x245xf32>
    %mul3A_106 = arith.constant 1.000000e-03 : f32
    %mul3A_107 = vector.broadcast %mul3A_106 : f32 to vector<115x245xf32>
    %mul3A_108 = arith.mulf %add3A_105, %mul3A_107 : vector<115x245xf32>
    %mul3A_109 = arith.constant 2.000000e+00 : f32
    %mul3A_110 = vector.broadcast %mul3A_109 : f32 to vector<115x245xf32>
    %mul3A_111 = arith.mulf %mul3A_110, %dot_general3A_102 : vector<115x245xf32>
    %add3A_112 = vector.broadcast %broadcast_in_dim3A_96 : vector<115x1xf32> to vector<115x245xf32>
    %add3A_113 = arith.addf %add3A_112, %mul3A_111 : vector<115x245xf32>
    %add3A_114 = vector.broadcast %broadcast_in_dim3A_100 : vector<1x245xf32> to vector<115x245xf32>
    %add3A_115 = arith.addf %add3A_113, %add3A_114 : vector<115x245xf32>
    %mul3A_116 = arith.constant 1.000000e-03 : f32
    %mul3A_117 = vector.broadcast %mul3A_116 : f32 to vector<115x245xf32>
    %mul3A_118 = arith.mulf %add3A_115, %mul3A_117 : vector<115x245xf32>
    %mul3A_119 = arith.mulf %mul3A_108, %mul3A_108 : vector<115x245xf32>
    %sub3A = arith.subf %mul3A_118, %mul3A_119 : vector<115x245xf32>
    %swap3A_120 = arith.constant 0 : index
    %swap3A_121 = arith.constant 0 : index
    %swap3A_122 = vector.load %arg13[%swap3A_120, %swap3A_121] : memref<115x245xf32, #tpu.memory_space<vmem>>, vector<115x245xf32>
    tpu.vector_store %arg13[%swap3A_120, %swap3A_121], %mul3A_108 {strides = array<i32>} : memref<115x245xf32, #tpu.memory_space<vmem>>, vector<115x245xf32>,
    %add3A_123 = arith.constant 9.99999974E-6 : f32
    %add3A_124 = vector.broadcast %add3A_123 : f32 to vector<115x245xf32>
    %add3A_125 = arith.addf %sub3A, %add3A_124 : vector<115x245xf32>
    %rsqrt3A = math.rsqrt %add3A_125 : vector<115x245xf32>
    %swap3A_126 = arith.constant 0 : index
    %swap3A_127 = arith.constant 0 : index
    %swap3A_128 = vector.load %arg14[%swap3A_126, %swap3A_127] : memref<115x245xf32, #tpu.memory_space<vmem>>, vector<115x245xf32>
    tpu.vector_store %arg14[%swap3A_126, %swap3A_127], %rsqrt3A {strides = array<i32>} : memref<115x245xf32, #tpu.memory_space<vmem>>, vector<115x245xf32>,
    return
  }
}

module attributes {stable_mosaic.version = 14 : i64} {
  func.func @_pair_body(%arg0: i32, %arg1: memref<1000x115xbf16, #tpu.memory_space<vmem>>, %arg2: memref<1000x245xbf16, #tpu.memory_space<vmem>>, %arg3: memref<1x1024xf32, #tpu.memory_space<vmem>>, %arg4: memref<1x1024xf32, #tpu.memory_space<vmem>>, %arg5: memref<1000x1xf32, #tpu.memory_space<vmem>>, %arg6: memref<1000x1xf32, #tpu.memory_space<vmem>>, %arg7: memref<801x1000xbf16, #tpu.memory_space<vmem>>, %arg8: memref<801x1xf32, #tpu.memory_space<vmem>>, %arg9: memref<800x1xf32, #tpu.memory_space<vmem>>, %arg10: memref<800x1xf32, #tpu.memory_space<vmem>>, %arg11: memref<1024x800xbf16, #tpu.memory_space<vmem>>, %arg12: memref<1024x28175xf32, #tpu.memory_space<any>>, %arg13: memref<1024x527xf32, #tpu.memory_space<vmem>>, %arg14: memref<1024x1024xf32, #tpu.memory_space<vmem>>, %arg15: memref<1024x1024xf32, #tpu.memory_space<vmem>>, %arg16: memref<!tpu.dma_semaphore, #tpu.memory_space<semaphore_mem>>, %arg17: memref<!tpu.dma_semaphore, #tpu.memory_space<semaphore_mem>>) attributes {dimension_semantics = [#tpu.dimension_semantics<arbitrary>], iteration_bounds = array<i64: 28>, scalar_prefetch = 0 : i64, scratch_operands = 4 : i64, tpu.core_type = #tpu.core_type<tc>, window_params = [{pipeline_mode = #tpu.pipeline_mode<synchronous>, transform_indices = @transform_0, window_bounds = array<i64: 1000, 115>}, {pipeline_mode = #tpu.pipeline_mode<synchronous>, transform_indices = @transform_1, window_bounds = array<i64: 1000, 245>}, {transform_indices = @transform_2, window_bounds = array<i64: 1, 1024>}, {transform_indices = @transform_3, window_bounds = array<i64: 1, 1024>}, {pipeline_mode = #tpu.pipeline_mode<synchronous>, transform_indices = @transform_4, window_bounds = array<i64: 1000, 1>}, {pipeline_mode = #tpu.pipeline_mode<synchronous>, transform_indices = @transform_5, window_bounds = array<i64: 1000, 1>}, {pipeline_mode = #tpu.pipeline_mode<synchronous>, transform_indices = @transform_6, window_bounds = array<i64: 801, 1000>}, {pipeline_mode = #tpu.pipeline_mode<synchronous>, transform_indices = @transform_7, window_bounds = array<i64: 801, 1>}, {pipeline_mode = #tpu.pipeline_mode<synchronous>, transform_indices = @transform_8, window_bounds = array<i64: 800, 1>}, {pipeline_mode = #tpu.pipeline_mode<synchronous>, transform_indices = @transform_9, window_bounds = array<i64: 800, 1>}, {pipeline_mode = #tpu.pipeline_mode<synchronous>, transform_indices = @transform_10, window_bounds = array<i64: 1024, 800>}, {}, {pipeline_mode = #tpu.pipeline_mode<synchronous>, transform_indices = @transform_12, window_bounds = array<i64: 1024, 527>}]} {
    %mul3A = arith.constant 1024 : i32
    %mul3A_0 = arith.muli %arg0, %mul3A : i32
    %iota3A = tpu.iota {dimensions = array<i32: 1>} : vector<1x1024xi32>
    %add3A = vector.broadcast %mul3A_0 : i32 to vector<1x1024xi32>
    %add3A_1 = arith.addi %add3A, %iota3A : vector<1x1024xi32>
    %iota3A_2 = tpu.iota {dimensions = array<i32: 0>} : vector<116x1xi32>
    %mul3A_3 = arith.constant 245 : i32
    %mul3A_4 = vector.broadcast %mul3A_3 : i32 to vector<116x1xi32>
    %mul3A_5 = arith.muli %iota3A_2, %mul3A_4 : vector<116x1xi32>
    %ge3A = vector.broadcast %add3A_1 : vector<1x1024xi32> to vector<116x1024xi32>
    %ge3A_6 = vector.broadcast %mul3A_5 : vector<116x1xi32> to vector<116x1024xi32>
    %ge3A_7 = arith.cmpi sge, %ge3A, %ge3A_6 : vector<116x1024xi32>
    %slice3A = vector.extract_strided_slice %ge3A_7 {offsets = [0, 0], sizes = [115, 1024], strides = [1, 1]} : vector<116x1024xi1> to vector<115x1024xi1>
    %slice3A_8 = vector.extract_strided_slice %ge3A_7 {offsets = [1, 0], sizes = [115, 1024], strides = [1, 1]} : vector<116x1024xi1> to vector<115x1024xi1>
    %not3A = arith.constant dense<true> : vector<115x1024xi1>
    %not3A_9 = arith.xori %slice3A_8, %not3A : vector<115x1024xi1>
    %and3A = arith.andi %slice3A, %not3A_9 : vector<115x1024xi1>
    %convert_element_type3A = arith.extui %and3A : vector<115x1024xi1> to vector<115x1024xi32>
    %convert_element_type3A_10 = arith.sitofp %convert_element_type3A : vector<115x1024xi32> to vector<115x1024xf32>
    %convert_element_type3A_11 = arith.truncf %convert_element_type3A_10 : vector<115x1024xf32> to vector<115x1024xbf16>
    %slice3A_12 = vector.extract_strided_slice %ge3A_7 {offsets = [1, 0], sizes = [115, 1024], strides = [1, 1]} : vector<116x1024xi1> to vector<115x1024xi1>
    %convert_element_type3A_13 = arith.extui %slice3A_12 : vector<115x1024xi1> to vector<115x1024xi32>
    %reduce_sum3A = arith.constant dense<0> : vector<1024xi32>
    %reduce_sum3A_14 = vector.multi_reduction <add>, %convert_element_type3A_13, %reduce_sum3A [0] : vector<115x1024xi32> to vector<1024xi32>
    %broadcast_in_dim3A = vector.shape_cast %reduce_sum3A_14 : vector<1024xi32> to vector<1x1024xi32>
    %mul3A_15 = arith.constant 245 : i32
    %mul3A_16 = vector.broadcast %mul3A_15 : i32 to vector<1x1024xi32>
    %mul3A_17 = arith.muli %mul3A_16, %broadcast_in_dim3A : vector<1x1024xi32>
    %sub3A = arith.subi %add3A_1, %mul3A_17 : vector<1x1024xi32>
    %iota3A_18 = tpu.iota {dimensions = array<i32: 0>} : vector<245x1xi32>
    %eq3A = vector.broadcast %sub3A : vector<1x1024xi32> to vector<245x1024xi32>
    %eq3A_19 = vector.broadcast %iota3A_18 : vector<245x1xi32> to vector<245x1024xi32>
    %eq3A_20 = arith.cmpi eq, %eq3A, %eq3A_19 : vector<245x1024xi32>
    %convert_element_type3A_21 = arith.extui %eq3A_20 : vector<245x1024xi1> to vector<245x1024xi32>
    %convert_element_type3A_22 = arith.sitofp %convert_element_type3A_21 : vector<245x1024xi32> to vector<245x1024xf32>
    %convert_element_type3A_23 = arith.truncf %convert_element_type3A_22 : vector<245x1024xf32> to vector<245x1024xbf16>
    %get3A = arith.constant 0 : index
    %get3A_24 = arith.constant 0 : index
    %get3A_25 = vector.load %arg1[%get3A, %get3A_24] : memref<1000x115xbf16, #tpu.memory_space<vmem>>, vector<1000x115xbf16>
    %dot_general3A = arith.constant dense<0.000000e+00> : vector<1000x1024xf32>
    %dot_general3A_26 = tpu.matmul %get3A_25, %convert_element_type3A_11, %dot_general3A {dimension_numbers = #tpu.dot_dimension_numbers<[1], [0], [0], [1], [0, 0, 1, 1], [], []>, transpose_lhs_hint = false} : vector<1000x115xbf16>, vector<115x1024xbf16>, vector<1000x1024xf32> -> vector<1000x1024xf32>
    %get3A_27 = arith.constant 0 : index
    %get3A_28 = arith.constant 0 : index
    %get3A_29 = vector.load %arg2[%get3A_27, %get3A_28] : memref<1000x245xbf16, #tpu.memory_space<vmem>>, vector<1000x245xbf16>
    %dot_general3A_30 = arith.constant dense<0.000000e+00> : vector<1000x1024xf32>
    %dot_general3A_31 = tpu.matmul %get3A_29, %convert_element_type3A_23, %dot_general3A_30 {dimension_numbers = #tpu.dot_dimension_numbers<[1], [0], [0], [1], [0, 0, 1, 1], [], []>, transpose_lhs_hint = false} : vector<1000x245xbf16>, vector<245x1024xbf16>, vector<1000x1024xf32> -> vector<1000x1024xf32>
    %add3A_32 = arith.addf %dot_general3A_26, %dot_general3A_31 : vector<1000x1024xf32>
    %get3A_33 = arith.constant 0 : index
    %get3A_34 = arith.constant 0 : index
    %get3A_35 = vector.load %arg3[%get3A_33, %get3A_34] : memref<1x1024xf32, #tpu.memory_space<vmem>>, vector<1x1024xf32>
    %sub3A_36 = vector.broadcast %get3A_35 : vector<1x1024xf32> to vector<1000x1024xf32>
    %sub3A_37 = arith.subf %add3A_32, %sub3A_36 : vector<1000x1024xf32>
    %get3A_38 = arith.constant 0 : index
    %get3A_39 = arith.constant 0 : index
    %get3A_40 = vector.load %arg4[%get3A_38, %get3A_39] : memref<1x1024xf32, #tpu.memory_space<vmem>>, vector<1x1024xf32>
    %mul3A_41 = vector.broadcast %get3A_40 : vector<1x1024xf32> to vector<1000x1024xf32>
    %mul3A_42 = arith.mulf %sub3A_37, %mul3A_41 : vector<1000x1024xf32>
    %get3A_43 = arith.constant 0 : index
    %get3A_44 = arith.constant 0 : index
    %get3A_45 = vector.load %arg5[%get3A_43, %get3A_44] : memref<1000x1xf32, #tpu.memory_space<vmem>>, vector<1000x1xf32>
    %mul3A_46 = vector.broadcast %get3A_45 : vector<1000x1xf32> to vector<1000x1024xf32>
    %mul3A_47 = arith.mulf %mul3A_42, %mul3A_46 : vector<1000x1024xf32>
    %get3A_48 = arith.constant 0 : index
    %get3A_49 = arith.constant 0 : index
    %get3A_50 = vector.load %arg6[%get3A_48, %get3A_49] : memref<1000x1xf32, #tpu.memory_space<vmem>>, vector<1000x1xf32>
    %add3A_51 = vector.broadcast %get3A_50 : vector<1000x1xf32> to vector<1000x1024xf32>
    %add3A_52 = arith.addf %mul3A_47, %add3A_51 : vector<1000x1024xf32>
    %max3A = arith.constant 0.000000e+00 : f32
    %max3A_53 = vector.broadcast %max3A : f32 to vector<1000x1024xf32>
    %max3A_54 = arith.maximumf %add3A_52, %max3A_53 : vector<1000x1024xf32>
    %get3A_55 = arith.constant 0 : index
    %get3A_56 = arith.constant 0 : index
    %get3A_57 = vector.load %arg7[%get3A_55, %get3A_56] : memref<801x1000xbf16, #tpu.memory_space<vmem>>, vector<801x1000xbf16>
    %convert_element_type3A_58 = arith.truncf %max3A_54 : vector<1000x1024xf32> to vector<1000x1024xbf16>
    %dot_general3A_59 = arith.constant dense<0.000000e+00> : vector<801x1024xf32>
    %dot_general3A_60 = tpu.matmul %get3A_57, %convert_element_type3A_58, %dot_general3A_59 {dimension_numbers = #tpu.dot_dimension_numbers<[1], [0], [0], [1], [0, 0, 1, 1], [], []>, transpose_lhs_hint = false} : vector<801x1000xbf16>, vector<1000x1024xbf16>, vector<801x1024xf32> -> vector<801x1024xf32>
    %get3A_61 = arith.constant 0 : index
    %get3A_62 = arith.constant 0 : index
    %get3A_63 = vector.load %arg8[%get3A_61, %get3A_62] : memref<801x1xf32, #tpu.memory_space<vmem>>, vector<801x1xf32>
    %add3A_64 = vector.broadcast %get3A_63 : vector<801x1xf32> to vector<801x1024xf32>
    %add3A_65 = arith.addf %dot_general3A_60, %add3A_64 : vector<801x1024xf32>
    %slice3A_66 = vector.extract_strided_slice %add3A_65 {offsets = [0, 0], sizes = [800, 1024], strides = [1, 1]} : vector<801x1024xf32> to vector<800x1024xf32>
    %slice3A_67 = vector.extract_strided_slice %add3A_65 {offsets = [800, 0], sizes = [1, 1024], strides = [1, 1]} : vector<801x1024xf32> to vector<1x1024xf32>
    %mul3A_68 = arith.mulf %slice3A_66, %slice3A_66 : vector<800x1024xf32>
    %reduce_sum3A_69 = arith.constant dense<0.000000e+00> : vector<1024xf32>
    %reduce_sum3A_70 = vector.multi_reduction <add>, %mul3A_68, %reduce_sum3A_69 [0] : vector<800x1024xf32> to vector<1024xf32>
    %broadcast_in_dim3A_71 = vector.shape_cast %reduce_sum3A_70 : vector<1024xf32> to vector<1x1024xf32>
    %div3A = arith.constant 8.000000e+02 : f32
    %div3A_72 = vector.broadcast %div3A : f32 to vector<1x1024xf32>
    %div3A_73 = arith.divf %broadcast_in_dim3A_71, %div3A_72 : vector<1x1024xf32>
    %mul3A_74 = arith.mulf %slice3A_67, %slice3A_67 : vector<1x1024xf32>
    %sub3A_75 = arith.subf %div3A_73, %mul3A_74 : vector<1x1024xf32>
    %add3A_76 = arith.constant 9.99999974E-6 : f32
    %add3A_77 = vector.broadcast %add3A_76 : f32 to vector<1x1024xf32>
    %add3A_78 = arith.addf %sub3A_75, %add3A_77 : vector<1x1024xf32>
    %rsqrt3A = math.rsqrt %add3A_78 : vector<1x1024xf32>
    %sub3A_79 = vector.broadcast %slice3A_67 : vector<1x1024xf32> to vector<800x1024xf32>
    %sub3A_80 = arith.subf %slice3A_66, %sub3A_79 : vector<800x1024xf32>
    %mul3A_81 = vector.broadcast %rsqrt3A : vector<1x1024xf32> to vector<800x1024xf32>
    %mul3A_82 = arith.mulf %sub3A_80, %mul3A_81 : vector<800x1024xf32>
    %get3A_83 = arith.constant 0 : index
    %get3A_84 = arith.constant 0 : index
    %get3A_85 = vector.load %arg9[%get3A_83, %get3A_84] : memref<800x1xf32, #tpu.memory_space<vmem>>, vector<800x1xf32>
    %mul3A_86 = vector.broadcast %get3A_85 : vector<800x1xf32> to vector<800x1024xf32>
    %mul3A_87 = arith.mulf %mul3A_82, %mul3A_86 : vector<800x1024xf32>
    %get3A_88 = arith.constant 0 : index
    %get3A_89 = arith.constant 0 : index
    %get3A_90 = vector.load %arg10[%get3A_88, %get3A_89] : memref<800x1xf32, #tpu.memory_space<vmem>>, vector<800x1xf32>
    %add3A_91 = vector.broadcast %get3A_90 : vector<800x1xf32> to vector<800x1024xf32>
    %add3A_92 = arith.addf %mul3A_87, %add3A_91 : vector<800x1024xf32>
    %get3A_93 = arith.constant 0 : index
    %get3A_94 = arith.constant 0 : index
    %get3A_95 = vector.load %arg11[%get3A_93, %get3A_94] : memref<1024x800xbf16, #tpu.memory_space<vmem>>, vector<1024x800xbf16>
    %convert_element_type3A_96 = arith.truncf %add3A_92 : vector<800x1024xf32> to vector<800x1024xbf16>
    %dot_general3A_97 = arith.constant dense<0.000000e+00> : vector<1024x1024xf32>
    %dot_general3A_98 = tpu.matmul %get3A_95, %convert_element_type3A_96, %dot_general3A_97 {dimension_numbers = #tpu.dot_dimension_numbers<[1], [0], [0], [1], [0, 0, 1, 1], [], []>, transpose_lhs_hint = false} : vector<1024x800xbf16>, vector<800x1024xbf16>, vector<1024x1024xf32> -> vector<1024x1024xf32>
    %jit3A = arith.constant 2 : i32
    %eq3A_99 = arith.constant 0 : i32
    %eq3A_100 = arith.cmpi eq, %jit3A, %eq3A_99 : i32
    %jit3A_101 = arith.constant 1 : i32
    %select_n3A = arith.select %eq3A_100, %jit3A_101, %jit3A : i32
    %rem3A = arith.remsi %arg0, %select_n3A : i32
    %ne3A = arith.constant 0 : i32
    %ne3A_102 = arith.cmpi ne, %rem3A, %ne3A : i32
    %lt3A = arith.constant 0 : i32
    %lt3A_103 = arith.cmpi slt, %rem3A, %lt3A : i32
    %lt3A_104 = arith.constant 0 : i32
    %lt3A_105 = arith.cmpi slt, %select_n3A, %lt3A_104 : i32
    %ne3A_106 = arith.xori %lt3A_103, %lt3A_105 : i1
    %and3A_107 = arith.andi %ne3A_106, %ne3A_102 : i1
    %add3A_108 = arith.addi %rem3A, %select_n3A : i32
    %select_n3A_109 = arith.select %and3A_107, %add3A_108, %rem3A : i32
    %eq3A_110 = arith.constant 0 : i32
    %eq3A_111 = arith.cmpi eq, %select_n3A_109, %eq3A_110 : i32
    %ge3A_112 = arith.constant 2 : i32
    %ge3A_113 = arith.cmpi sge, %arg0, %ge3A_112 : i32
    %lt3A_114 = arith.constant 27 : i32
    %lt3A_115 = arith.cmpi slt, %arg0, %lt3A_114 : i32
    %and3A_116 = arith.andi %ge3A_113, %lt3A_115 : i1
    %and3A_117 = arith.andi %and3A_116, %eq3A_111 : i1
    %convert_element_type3A_118 = arith.extui %and3A_117 : i1 to i32
    %cond3A = arith.constant 0 : i32
    %cond3A_119 = arith.cmpi ne, %convert_element_type3A_118, %cond3A : i32
    scf.if %cond3A_119 {
      %sub3A_136 = arith.constant 2 : i32
      %sub3A_137 = arith.subi %arg0, %sub3A_136 : i32
      %mul3A_138 = arith.constant 1024 : i32
      %mul3A_139 = arith.muli %sub3A_137, %mul3A_138 : i32
      %dma_wait3A = arith.constant 0 : i32
      %dma_wait3A_140 = tpu.memref_slice %arg12[%dma_wait3A, %mul3A_139] : memref<1024x28175xf32, #tpu.memory_space<any>> -> memref<1024x1024xf32, #tpu.memory_space<any>>
      tpu.wait_dma2 semaphore(%arg16 : memref<!tpu.dma_semaphore, #tpu.memory_space<semaphore_mem>>) src(%arg14 : memref<1024x1024xf32, #tpu.memory_space<vmem>>) dst(%dma_wait3A_140 : memref<1024x1024xf32, #tpu.memory_space<any>>)
    } else {
    }
    %not3A_120 = arith.constant true
    %not3A_121 = arith.xori %eq3A_111, %not3A_120 : i1
    %and3A_122 = arith.andi %and3A_116, %not3A_121 : i1
    %convert_element_type3A_123 = arith.extui %and3A_122 : i1 to i32
    %cond3A_124 = arith.constant 0 : i32
    %cond3A_125 = arith.cmpi ne, %convert_element_type3A_123, %cond3A_124 : i32
    scf.if %cond3A_125 {
      %sub3A_136 = arith.constant 2 : i32
      %sub3A_137 = arith.subi %arg0, %sub3A_136 : i32
      %mul3A_138 = arith.constant 1024 : i32
      %mul3A_139 = arith.muli %sub3A_137, %mul3A_138 : i32
      %dma_wait3A = arith.constant 0 : i32
      %dma_wait3A_140 = tpu.memref_slice %arg12[%dma_wait3A, %mul3A_139] : memref<1024x28175xf32, #tpu.memory_space<any>> -> memref<1024x1024xf32, #tpu.memory_space<any>>
      tpu.wait_dma2 semaphore(%arg17 : memref<!tpu.dma_semaphore, #tpu.memory_space<semaphore_mem>>) src(%arg15 : memref<1024x1024xf32, #tpu.memory_space<vmem>>) dst(%dma_wait3A_140 : memref<1024x1024xf32, #tpu.memory_space<any>>)
    } else {
    }
    %lt3A_126 = arith.constant 27 : i32
    %lt3A_127 = arith.cmpi slt, %arg0, %lt3A_126 : i32
    %convert_element_type3A_128 = arith.extui %lt3A_127 : i1 to i32
    %cond3A_129 = arith.constant 0 : i32
    %cond3A_130 = arith.cmpi ne, %convert_element_type3A_128, %cond3A_129 : i32
    scf.if %cond3A_130 {
      %convert_element_type3A_136 = arith.extui %eq3A_111 : i1 to i32
      %cond3A_137 = arith.constant 0 : i32
      %cond3A_138 = arith.cmpi ne, %convert_element_type3A_136, %cond3A_137 : i32
      scf.if %cond3A_138 {
        %swap3A = arith.constant 0 : index
        %swap3A_144 = arith.constant 0 : index
        %swap3A_145 = vector.load %arg14[%swap3A, %swap3A_144] : memref<1024x1024xf32, #tpu.memory_space<vmem>>, vector<1024x1024xf32>
        tpu.vector_store %arg14[%swap3A, %swap3A_144], %dot_general3A_98 {strides = array<i32>} : memref<1024x1024xf32, #tpu.memory_space<vmem>>, vector<1024x1024xf32>,
        %mul3A_146 = arith.constant 1024 : i32
        %mul3A_147 = arith.muli %arg0, %mul3A_146 : i32
        %dma_start3A = arith.constant 0 : i32
        %dma_start3A_148 = tpu.memref_slice %arg12[%dma_start3A, %mul3A_147] : memref<1024x28175xf32, #tpu.memory_space<any>> -> memref<1024x1024xf32, #tpu.memory_space<any>>
        tpu.enqueue_dma source(%arg14 : memref<1024x1024xf32, #tpu.memory_space<vmem>>) target(%dma_start3A_148 : memref<1024x1024xf32, #tpu.memory_space<any>>) target_semaphore(%arg16 : memref<!tpu.dma_semaphore, #tpu.memory_space<semaphore_mem>>)
      } else {
      }
      %not3A_139 = arith.constant true
      %not3A_140 = arith.xori %eq3A_111, %not3A_139 : i1
      %convert_element_type3A_141 = arith.extui %not3A_140 : i1 to i32
      %cond3A_142 = arith.constant 0 : i32
      %cond3A_143 = arith.cmpi ne, %convert_element_type3A_141, %cond3A_142 : i32
      scf.if %cond3A_143 {
        %swap3A = arith.constant 0 : index
        %swap3A_144 = arith.constant 0 : index
        %swap3A_145 = vector.load %arg15[%swap3A, %swap3A_144] : memref<1024x1024xf32, #tpu.memory_space<vmem>>, vector<1024x1024xf32>
        tpu.vector_store %arg15[%swap3A, %swap3A_144], %dot_general3A_98 {strides = array<i32>} : memref<1024x1024xf32, #tpu.memory_space<vmem>>, vector<1024x1024xf32>,
        %mul3A_146 = arith.constant 1024 : i32
        %mul3A_147 = arith.muli %arg0, %mul3A_146 : i32
        %dma_start3A = arith.constant 0 : i32
        %dma_start3A_148 = tpu.memref_slice %arg12[%dma_start3A, %mul3A_147] : memref<1024x28175xf32, #tpu.memory_space<any>> -> memref<1024x1024xf32, #tpu.memory_space<any>>
        tpu.enqueue_dma source(%arg15 : memref<1024x1024xf32, #tpu.memory_space<vmem>>) target(%dma_start3A_148 : memref<1024x1024xf32, #tpu.memory_space<any>>) target_semaphore(%arg17 : memref<!tpu.dma_semaphore, #tpu.memory_space<semaphore_mem>>)
      } else {
      }
    } else {
    }
    %eq3A_131 = arith.constant 27 : i32
    %eq3A_132 = arith.cmpi eq, %arg0, %eq3A_131 : i32
    %convert_element_type3A_133 = arith.extui %eq3A_132 : i1 to i32
    %cond3A_134 = arith.constant 0 : i32
    %cond3A_135 = arith.cmpi ne, %convert_element_type3A_133, %cond3A_134 : i32
    scf.if %cond3A_135 {
      %slice3A_136 = vector.extract_strided_slice %dot_general3A_98 {offsets = [0, 0], sizes = [1024, 527], strides = [1, 1]} : vector<1024x1024xf32> to vector<1024x527xf32>
      %swap3A = arith.constant 0 : index
      %swap3A_137 = arith.constant 0 : index
      %swap3A_138 = vector.load %arg13[%swap3A, %swap3A_137] : memref<1024x527xf32, #tpu.memory_space<vmem>>, vector<1024x527xf32>
      tpu.vector_store %arg13[%swap3A, %swap3A_137], %slice3A_136 {strides = array<i32>} : memref<1024x527xf32, #tpu.memory_space<vmem>>, vector<1024x527xf32>,
      %dma_wait3A = arith.constant 0 : i32
      %dma_wait3A_139 = arith.constant 26624 : i32
      %dma_wait3A_140 = tpu.memref_slice %arg12[%dma_wait3A, %dma_wait3A_139] : memref<1024x28175xf32, #tpu.memory_space<any>> -> memref<1024x1024xf32, #tpu.memory_space<any>>
      tpu.wait_dma2 semaphore(%arg16 : memref<!tpu.dma_semaphore, #tpu.memory_space<semaphore_mem>>) src(%arg14 : memref<1024x1024xf32, #tpu.memory_space<vmem>>) dst(%dma_wait3A_140 : memref<1024x1024xf32, #tpu.memory_space<any>>)
      %dma_wait3A_141 = arith.constant 0 : i32
      %dma_wait3A_142 = arith.constant 25600 : i32
      %dma_wait3A_143 = tpu.memref_slice %arg12[%dma_wait3A_141, %dma_wait3A_142] : memref<1024x28175xf32, #tpu.memory_space<any>> -> memref<1024x1024xf32, #tpu.memory_space<any>>
      tpu.wait_dma2 semaphore(%arg17 : memref<!tpu.dma_semaphore, #tpu.memory_space<semaphore_mem>>) src(%arg15 : memref<1024x1024xf32, #tpu.memory_space<vmem>>) dst(%dma_wait3A_143 : memref<1024x1024xf32, #tpu.memory_space<any>>)
    } else {
    }
    return
  }
  func.func @transform_0(%arg0: i32) -> (i32, i32) {
    %c0_i32 = arith.constant 0 : i32
    %c0_i32_0 = arith.constant 0 : i32
    %c0_i32_1 = arith.constant 0 : i32
    return %c0_i32, %c0_i32_0 : i32, i32
  }
  func.func @transform_1(%arg0: i32) -> (i32, i32) {
    %c0_i32 = arith.constant 0 : i32
    %c0_i32_0 = arith.constant 0 : i32
    %c0_i32_1 = arith.constant 0 : i32
    return %c0_i32, %c0_i32_0 : i32, i32
  }
  func.func @transform_2(%arg0: i32) -> (i32, i32) {
    %c0_i32 = arith.constant 0 : i32
    %c0_i32_0 = arith.constant 0 : i32
    return %c0_i32, %arg0 : i32, i32
  }
  func.func @transform_3(%arg0: i32) -> (i32, i32) {
    %c0_i32 = arith.constant 0 : i32
    %c0_i32_0 = arith.constant 0 : i32
    return %c0_i32, %arg0 : i32, i32
  }
  func.func @transform_4(%arg0: i32) -> (i32, i32) {
    %c0_i32 = arith.constant 0 : i32
    %c0_i32_0 = arith.constant 0 : i32
    %c0_i32_1 = arith.constant 0 : i32
    return %c0_i32, %c0_i32_0 : i32, i32
  }
  func.func @transform_5(%arg0: i32) -> (i32, i32) {
    %c0_i32 = arith.constant 0 : i32
    %c0_i32_0 = arith.constant 0 : i32
    %c0_i32_1 = arith.constant 0 : i32
    return %c0_i32, %c0_i32_0 : i32, i32
  }
  func.func @transform_6(%arg0: i32) -> (i32, i32) {
    %c0_i32 = arith.constant 0 : i32
    %c0_i32_0 = arith.constant 0 : i32
    %c0_i32_1 = arith.constant 0 : i32
    return %c0_i32, %c0_i32_0 : i32, i32
  }
  func.func @transform_7(%arg0: i32) -> (i32, i32) {
    %c0_i32 = arith.constant 0 : i32
    %c0_i32_0 = arith.constant 0 : i32
    %c0_i32_1 = arith.constant 0 : i32
    return %c0_i32, %c0_i32_0 : i32, i32
  }
  func.func @transform_8(%arg0: i32) -> (i32, i32) {
    %c0_i32 = arith.constant 0 : i32
    %c0_i32_0 = arith.constant 0 : i32
    %c0_i32_1 = arith.constant 0 : i32
    return %c0_i32, %c0_i32_0 : i32, i32
  }
  func.func @transform_9(%arg0: i32) -> (i32, i32) {
    %c0_i32 = arith.constant 0 : i32
    %c0_i32_0 = arith.constant 0 : i32
    %c0_i32_1 = arith.constant 0 : i32
    return %c0_i32, %c0_i32_0 : i32, i32
  }
  func.func @transform_10(%arg0: i32) -> (i32, i32) {
    %c0_i32 = arith.constant 0 : i32
    %c0_i32_0 = arith.constant 0 : i32
    %c0_i32_1 = arith.constant 0 : i32
    return %c0_i32, %c0_i32_0 : i32, i32
  }
  func.func @transform_12(%arg0: i32) -> (i32, i32) {
    %c0_i32 = arith.constant 0 : i32
    %c0_i32_0 = arith.constant 0 : i32
    %c0_i32_1 = arith.constant 0 : i32
    return %c0_i32, %c0_i32_0 : i32, i32
  }
}

</mosaic_0001>

<sc_bundles>
// kernel: sparse-core-data-format-call.cloned.1.call-start
scs
called_computation_lowered:
.L_overlay_start_0:
0x0: {  	s2 =	sld [smem:$0x3FD9]  }
0x1: {  	s3 =	sld [smem:$0x3FFE];
	_ =	sdelay $0x1  }
0x2: {  	s1 =	srdreg.scid  }
0x3: {  	s0 =	sand.u32 $0x1, s1  }
0x4: {  	s18 =	sshll.u32 s0, $0xA;
	s2 =	sadd.s32 s3, s2  }
0x5: {  	s2 =	sadd.s32 s2, s18  }
0x6: {  	[smem:$0x3FAB] =	sst s2  }
0x7: {  	_ = 	snop  }
0x8: {  	s2 =	sld [smem:$0x3FD0];
	(tm) =	ssettm $0x1  }
0x9: {  	s19 =	sld [smem:$0x3FFB];
	_ =	sdelay $0x3  }
0xa: {  	_ =	strace s19  }
0xb: {  	s3 =	sld [smem:$0x3FFC];
	_ =	sdelay $0x3  }
0xc: {  	_ =	strace s3  }
0xd: {  	s3 =	sld [smem:$0x3FFD];
	_ =	sdelay $0x3  }
0xe: {  	_ =	strace s3  }
0xf: {  	_ =	strace $0x8FFFFFFF  }
0x10: {  	s20 =	sld [smem:$0x3FDB];
	_ =	sdelay $0x1  }
0x11: {  	s4 =	simm.s32 $_scs_section_size  }
0x12: {  	s5 =	simm.s32 $_size__tile_overlayer_lowered;
	s6 =	simm.s32 $_tile_overlayer_lowered  }
0x13: {  	s23 =	simm.s32 $0x1BFF;
	s22 =	sshll.u32 s6, $0x1;
	s3 =	sadd.s32 s4, s20  }
0x14: {  	s7 =	simm.s32 $0x0;
	s21 =	sshll.u32 s5, $0x1;
	s5 =	sadd.s32 s22, s3  }
0x15: {  	[timem:s7], [sflag:s23] =	dma.local [hbm:s5], s21  }
0x16: {  	_ =	swait.ge [sflag:s23], s21  }
0x17: {  	s4 =	ssub.s32 $0x0, s21;
	[sflag:s23] =	ssyncset.done $0x0  }
0x18: {  	[sflag:s23] =	ssyncadd.s32 s4;
	_ =	sdelay $0x1  }
0x19: {  	s24 =	simm.s32 $0x1B8B  }
0x1a: {  	_ =	swait.ge [sflag:s24], $0x1  }
0x1b: {  	[sflag:s24] =	ssyncset.done $0x0  }
0x1c: {  	s26 =	simm.s32 $0x1B8E;
	s25 =	sld [smem:$0x3FFE];
	[sflag:s24] =	ssyncadd.s32 $0xFFFFFFFF  }
0x1d: {  	s27 =	simm.s32 $execute0_lowered;
	[smem:$0x3FD2] =	sst s26  }
0x1e: {  	s5 =	sshll.u32 s27, $0x1;
	_ =	strace $0x80000046;
	[dreg:$0x1] =	wrdreg $0xFFFFFFFF  }
0x1f: {  	s28 =	simm.s32 $_size_execute0_lowered;
	s3 =	sadd.s32 s3, s5;
	[dreg:$0x0] =	wrdreg $0x0  }
0x20: {  	s5 =	sshll.u32 s28, $0x1;
	[dreg:$0x2] =	wrdreg s3  }
0x21: {  	[dreg:$0x3] =	wrdreg s5  }
0x22: {  	[dreg:$0x4] =	wrdreg $0xC0  }
0x23: {  	_ =	task [dreg:s7], $0x5FFFF  }
0x24: {  	[dreg:$0x1] =	wrdreg $0xFFFFFFFF  }
0x25: {  	[dreg:$0x0] =	wrdreg $0x60  }
0x26: {  	[dreg:$0x2] =	wrdreg s25  }
0x27: {  	[dreg:$0x3] =	wrdreg s2  }
0x28: {  	[dreg:$0x4] =	wrdreg $0x9  }
0x29: {  	_ =	task.clear_ibuf [dreg:s7], $0x5FFFF;
	_ =	strace $0x90000046  }
0x2a: {  	s29 =	simm.s32 $0x9;
	_ =	strace $0x80000048  }
0x2b: {  	_ =	swait.ge [sflag:s29], $0x1  }
0x2c: {  	[sflag:s29] =	ssyncadd.s32 $0xFFFFFFFF  }
0x2d: {  	_ =	strace $0x90000048  }
0x2e: {  	_ =	sfence  }
0x2f: {  	s30 =	sld [smem:$0x0];
	_ =	sdelay $0x2  }
0x30: {  	s31 =	sshll.u32 s1, $0xD;
	s1 =	sshrl.u32 s1, $0x2  }
0x31: {  	s3 =	sand.u32 $0x4000, s31;
	s1 =	sadd.s32 s1, s30  }
0x32: {  	s0 =	sor.u32 s3, s0;
	s1 =	sshll.u32 s1, $0x11  }
0x33: {  	s0 =	sor.u32 s1, s0  }
0x34: {  	s0 =	sadd.s32 $0x8F2B, s0  }
0x35: {  	[sflag:s0] =	ssyncadd.remote.s32 $0x1  }
0x36: {  	_ =	sfence.sel $0xFFFF  }
0x37: {  	[dreg:$0x0] =	wrdreg $0xFFFFFFFF;
	(pc) =	sbr.abs _section_cstart, $3  }
0x38: {  	[dreg:$0x1] =	wrdreg $0xFFFFFFFF  }
0x39: {  	_ =	task.clear_ibuf [dreg:s7], $0x2FFFF;
	_ =	strace $0x9FFFFFFF  }
0x3a: {  	(tm) =	ssettm $0x7FFFFFFF  }
0x3b: {  	_ =	shalt  }
tec
execute0_lowered:
.L_overlay_start_1:
0x0: {  	(tag) =	ssettag $0x1  }
0x1: {  	s0 =	stileid.u32  }
0x2: {  	s2 =	srdreg.scid;
	s7 =	rddreg [dreg:$0x0]  }
0x3: {  	s6 =	simm.s32 $0x1;
	s31 =	simm.s32 $0x2;
	s16 =	simm.s32 $0x0  }
0x4: {  	s9 =	simm.s32 $0x2000;
	s15 =	simm.s32 $0x0;
	s10 =	simm.s32 $0x0  }
0x5: {  	s11 =	simm.s32 $0x0;
	s14 =	simm.s32 $0x0;
	s1 =	sshll.u32 s0, $0x7  }
0x6: {  	s3 =	sshll.u32 s0, $0x4;
	s2 =	sshll.u32 s2, $0x8;
	s1 =	sand.u32 $0x380, s1  }
0x7: {  	s7 =	sadd.s32 $0x36000, s7;
	s2 =	sor.u32 s3, s2;
	s5 =	ssub.s32 $0x400, s1  }
0x8: {  	s3 =	rddreg [dreg:$0x1];
	s4 =	sand.u32 $0x180, s2;
	s29 =	sand.u32 $0x380, s5  }
0x9: {  	s30 =	ssub.s32 $0x6E00, s4;
	s5 =	sshrl.u32 s5, $0xA;
	p0 =	sne.s32 s29, $0x0  }
.Ltmp0:
0xa: {  	s8 =	sshrl.u32 s30, $0x9;
	s6 =	simm.s32 @!p0 $0x0;
	(pc) =	sbr.rel .LBB1_1-.Ltmp0, $4  }
0xb: {  	s2 =	rddreg [dreg:$0x2];
	s8 =	sadd.s32 $0x1, s8;
	s6 =	sadd.s32 s6, s5  }
0xc: {  	_ =	strace $0x80000047;
	s5 =	simm.s32 $0x1;
	s6 =	smul.u32 s6, s8  }
0xd: {  	s13 =	smov.u32 s1;
	s12 =	smov.u32 s4;
	[sflag:s5] =	ssyncpa.u1 $0x0  }
0xe: {  	p0 =	por $0x0, $0x0;
	[sflag:s31] =	ssyncpa.u1 $0x0;
	s8 =	sadd.s32 $0x1, s6  }
.LBB1_4:
0xf: {  	s21 =	sshra.s32 s21, $0x2;
	s27 =	sshll.u32 s10, $0xA;
	s22 =	sshll.u32 s11, $0x3  }
0x10: {  	s23 =	sshll.u32 s10, $0x7;
	s24 =	sand.u32 $0x78, s11;
	p1 =	sgt.s32 s10, $0x6D90  }
0x11: {  	s25 =	sshra.s32 s10, $0x1F;
	s26 =	sshra.s32 s11, $0x1F;
	s20 =	sadd.s32 s21, s20  }
0x12: {  	v5 =	vld [tilespmem:s18+$0xFFFFFFD0];
	[tilespmem:s19+$0x2040 ss:$0x81] =	vst.msk $0xffff, v4;
	s21 =	sand.u32 $0xFFFFE000, s27;
	s22 =	sand.u32 $0xFFFFFC00, s22;
	s28 =	sand.u32 $0x380, s23  }
0x13: {  	v58 =	vld [tilespmem:s18+$0xFFFFFFE0];
	[tilespmem:s19+$0x2850 ss:$0x81] =	vst.msk $0xffff, v3;
	s23 =	smov.u32 s10;
	s30 =	sand.u32 s25, s10;
	s25 =	smov.u32 s11  }
0x14: {  	v59 =	vld [tilespmem:s18+$0xFFFFFFF0];
	[tilespmem:s19+$0x3060 ss:$0x81] =	vst.msk $0xffff, v2;
	s31 =	sand.u32 s26, s11;
	s21 =	sadd.s32 s22, s21;
	s22 =	sor.u32 s24, s28  }
0x15: {  	v60 =	vld [tilespmem:s18+$0x0];
	[tilespmem:s19+$0x0 ss:$0x81] =	vst.msk $0xffff, v1;
	s23 =	simm.s32 @!p1 $0x6D90;
	p1 =	sgt.s32 s11, $0x380;
	s21 =	sshrl.u32 s21, $0xA  }
0x16: {  	v61 =	vld [tilespmem:s18+$0x10];
	[tilespmem:s20+$0x3870 ss:$0x81] =	vst.msk $0xffff, v0;
	s19 =	ssub.s32 s23, s30;
	s25 =	simm.s32 @!p1 $0x380;
	s29 =	smulhi.u32 $0x253719, s21  }
0x17: {  	v62 =	vld [tilespmem:s18+$0x20];
	s23 =	ssub.s32 s25, s31;
	s26 =	sadd.s32 $0xFFFF9270, s19;
	s19 =	ssub.s32 $0x6E10, s19;
	[tilespmem:s20+$0x810 ss:$0x81] =	vst.msk $0xffff, v5  }
0x18: {  	v63 =	vld [tilespmem:s18+$0xFFFFFFC0];
	[tilespmem:s20+$0x1020 ss:$0x81] =	vst.msk $0xffff, v58;
	p1 =	sgt.s32 s26, $0x7F;
	s28 =	sadd.s32 $0xFFFFFC80, s23;
	s24 =	sshrl.u32 s29, $0x4  }
0x19: {  	[tilespmem:s20+$0x1830 ss:$0x81] =	vst.msk $0xffff, v59;
	s23 =	ssub.s32 $0x400, s23;
	p2 =	sgt.s32 s28, $0x7F;
	s27 =	smul.u32 $0x6E10, s24  }
0x1a: {  	s30 =	sand.u32 $0x7, s11;
	[tilespmem:s20+$0x2040 ss:$0x81] =	vst.msk $0xffff, v60;
	s19 =	simm.s32 @p1 $0x0;
	s23 =	simm.s32 @p2 $0x0  }
0x1b: {  	[tilespmem:s20+$0x2850 ss:$0x81] =	vst.msk $0xffff, v61;
	s29 =	sshrl.u32 s22, $0x3;
	s19 =	smul.u32 s23, s19;
	s18 =	ssub.s32 s21, s27  }
0x1c: {  	[tilespmem:s20+$0x3060 ss:$0x81] =	vst.msk $0xffff, v62;
	s22 =	sshll.u32 s30, $0x12;
	s21 =	sadd.s32 s3, s29;
	s18 =	sshll.u32 s18, $0x7  }
0x1d: {  	[tilespmem:s20+$0x0 ss:$0x81] =	vst.msk $0xffff, v63;
	s31 =	sor.u32 $0x400, s22;
	s19 =	sand.u32 $0x3FFFFFFF, s19;
	s18 =	sadd.s32 s18, s21  }
0x1e: {  	[hbm4b:s18+s31] =	stream.strided.scatter [tilespmem:s17], [sflag:$0x2], s19, s9, s31, $0x20;
	[tilespmem:$0x10100] =	vst v63  }
.LBB1_5:
0x1f: {  	p1 =	slt.u32 s14, $0x2  }
0x20: {  	s18 =	smov.u32 s16;
	p2 =	sgt.s32 @!p1 s16, $0x6D90;
	s17 =	sshra.s32 @!p1 s16, $0x1F  }
0x21: {  	p3 =	sgt.s32 @!p1 s15, $0x380;
	s19 =	sshra.s32 @!p1 s15, $0x1F;
	p2 =	por !p2, p1  }
0x22: {  	s16 =	sand.u32 @!p1 s17, s16;
	p3 =	por !p3, p1;
	s17 =	smov.u32 s15  }
0x23: {  	s15 =	sand.u32 @!p1 s19, s15;
	s18 =	simm.s32 @p2 $0x6D90;
	s17 =	simm.s32 @p3 $0x380  }
0x24: {  	s16 =	ssub.s32 @!p1 s18, s16;
	s15 =	ssub.s32 @!p1 s17, s15  }
0x25: {  	s19 =	smov.u32 s13;
	s17 =	sadd.s32 @!p1 $0xFFFF9270, s16;
	s18 =	sadd.s32 @!p1 $0xFFFFFC80, s15  }
0x26: {  	s16 =	ssub.s32 @!p1 $0x6E10, s16;
	p2 =	sgt.s32 @!p1 s17, $0x7F;
	p3 =	sgt.s32 @!p1 s18, $0x7F  }
0x27: {  	s15 =	ssub.s32 @!p1 $0x400, s15;
	p2 =	por !p2, p1;
	p3 =	por !p3, p1  }
0x28: {  	s17 =	sadd.s32 $0x200, s12;
	s16 =	simm.s32 @!p2 $0x0;
	s15 =	simm.s32 @!p3 $0x0  }
0x29: {  	p2 =	sgt.s32 s17, $0x6E0E;
	s15 =	smul.u32 @!p1 s15, s16;
	s16 =	sadd.s32 $0x400, s13  }
0x2a: {  	s19 =	smov.u32 @p2 s16  }
0x2b: {  	s17 =	smov.u32 @p2 s4;
	p2 =	sgt.s32 s19, $0x3FF  }
0x2c: {  	s19 =	smov.u32 @p2 s1;
	p2 =	sne.s32 s14, s8  }
.Ltmp1:
0x2d: {  	p0 =	por !p0, !p0;
	s18 =	simm.s32 @!p1 $0x2;
	(pc) =	sbr.rel @!p2 .LBB1_6-.Ltmp1, $4  }
0x2e: {  	s16 =	smov.u32 s10;
	s10 =	smov.u32 s12;
	s15 =	sand.u32 @!p1 $0x3FFFFFFF, s15  }
0x2f: {  	s12 =	smov.u32 s17;
	_ =	swait.ge @!p1 [sflag:s18], s15;
	s20 =	ssub.s32 @!p1 $0x0, s15  }
0x30: {  	s15 =	smov.u32 s11;
	s14 =	sadd.s32 $0x1, s14;
	[sflag:s18] =	ssyncset.done @!p1 $0x0  }
0x31: {  	s11 =	smov.u32 s13;
	s13 =	smov.u32 s19;
	[sflag:s18] =	ssyncadd.s32 @!p1 s20  }
.LBB1_1:
0x32: {  	p1 =	sge.u32 s14, s6  }
0x33: {  	s17 =	sshrl.u32 @!p1 s13, $0x3  }
0x34: {  	s18 =	sshll.u32 @!p1 s12, $0x3;
	s17 =	smul.u32 @!p1 $0x37400, s17  }
0x35: {  	s19 =	sshll.u32 @!p1 s13, $0x7;
	s18 =	sand.u32 @!p1 $0xFFFFFC00, s18  }
0x36: {  	s17 =	sadd.s32 @!p1 s17, s18;
	s18 =	sand.u32 @!p1 $0x380, s19  }
0x37: {  	s17 =	sor.u32 @!p1 s18, s17  }
0x38: {  	s18 =	sshrl.u32 @!p1 s17, $0x7  }
0x39: {  	s18 =	smulhi.u32 @!p1 $0x2511603, s18;
	_ =	sdelay $0x1  }
0x3a: {  	s18 =	sshrl.u32 @!p1 s18, $0x1  }
0x3b: {  	s19 =	sand.u32 @!p1 $0x7F, s12;
	s20 =	smul.u32 @!p1 $0x6E80, s18  }
0x3c: {  	s31 =	sadd.s32 $0xFFFFFFFF, s14;
	s17 =	sor.u32 @!p1 s19, s17;
	s19 =	sxor.u32 @!p1 $0xFFFFFFFF, s14  }
0x3d: {  	s19 =	sshll.u32 @!p1 s19, $0xE;
	s18 =	sand.u32 @!p1 $0x3FF, s18;
	s17 =	ssub.s32 @!p1 s17, s20  }
0x3e: {  	s18 =	smul.u32 @!p1 $0xDD0, s18;
	s20 =	sshrl.u32 @!p1 s17, $0x3;
	s17 =	sand.u32 @!p1 $0x7, s17  }
0x3f: {  	s19 =	sand.u32 @!p1 $0x4000, s19;
	s20 =	sadd.s32 @!p1 s7, s20;
	s17 =	sshll.u32 @!p1 s17, $0x12  }
0x40: {  	s18 =	sadd.s32 @!p1 s18, s20;
	s17 =	sor.u32 @!p1 $0x400, s17;
	s20 =	simm.s32 @!p1 $0x37400  }
0x41: {  	[tilespmem:s19], [sflag:$0x1] =	stream.strided.gather @!p1 [hbm4b:s18+s17], $0x4000, s20, s17, $0x38;
	[tilespmem:$0x10100] =	vst v63  }
0x42: {  	p1 =	sge.u32 s31, s6  }
.Ltmp2:
0x43: {  	_ = 	snop;
	(pc) =	sbr.rel @p1 .LBB1_5-.Ltmp2, $1  }
0x44: {  	_ =	sdelay $0x3  }
0x45: {  	s17 =	simm.s32 $0x1  }
0x46: {  	_ =	swait.ge [sflag:s5], $0x4000;
	s17 =	simm.s32 @!p0 $0x0  }
0x47: {  	[sflag:s5] =	ssyncset.done $0x0;
	s18 =	sshll.u32 s17, $0xE  }
0x48: {  	[sflag:s5] =	ssyncadd.s32 $0xFFFFC000;
	s18 =	sor.u32 $0x40, s18  }
0x49: {  	s17 =	smul.u32 $0x10200, s17;
	v0 =	vld [tilespmem:s18+$0x30]  }
0x4a: {  	v1 =	vld [tilespmem:s18+$0xFFFFFFD0]  }
0x4b: {  	s17 =	sshrl.u32 s17, $0x2;
	v5 =	vld [tilespmem:s18+$0xFFFFFFE0]  }
0x4c: {  	v6 =	vld [tilespmem:s18+$0xFFFFFFF0];
	s20 =	sor.u32 $0x8000, s17  }
0x4d: {  	s31 =	sand.u32 $0x1, s14;
	v4 =	vld [tilespmem:s18+$0x0];
	s19 =	sadd.s32 $0x0, s20  }
0x4e: {  	v3 =	vld [tilespmem:s18+$0x10];
	s17 =	smul.u32 $0x10200, s31;
	[tilespmem:s19+$0x3870 ss:$0x81] =	vst.msk $0xffff, v0  }
0x4f: {  	v2 =	vld [tilespmem:s18+$0x20];
	[tilespmem:s19+$0x810 ss:$0x81] =	vst.msk $0xffff, v1  }
0x50: {  	s17 =	sshrl.u32 s17, $0x2;
	v1 =	vld [tilespmem:s18+$0xFFFFFFC0];
	[tilespmem:s19+$0x1020 ss:$0x81] =	vst.msk $0xffff, v5;
	s18 =	sadd.s32 $0x80, s18  }
0x51: {  	s21 =	simm.s32 $0x4;
	s22 =	simm.s32 $0x8;
	s17 =	sor.u32 $0x8000, s17;
	[tilespmem:s19+$0x1830 ss:$0x81] =	vst.msk $0xffff, v6;
	v0 =	vld [tilespmem:s18+$0x30]  }
.LBB1_3:
0x52: {  	p1 =	sne.s32 s22, $0x1FC;
	v5 =	vld [tilespmem:s18+$0xFFFFFFD0];
	[tilespmem:s19+$0x2040 ss:$0x81] =	vst.msk $0xffff, v4  }
0x53: {  	v6 =	vld [tilespmem:s18+$0xFFFFFFE0];
	[tilespmem:s19+$0x2850 ss:$0x81] =	vst.msk $0xffff, v3  }
0x54: {  	s23 =	sshra.s32 s21, $0x2;
	s21 =	smov.u32 s22;
	v7 =	vld [tilespmem:s18+$0xFFFFFFF0];
	[tilespmem:s19+$0x3060 ss:$0x81] =	vst.msk $0xffff, v2  }
.Ltmp3:
0x55: {  	v4 =	vld [tilespmem:s18+$0x0];
	[tilespmem:s19+$0x0 ss:$0x81] =	vst.msk $0xffff, v1;
	s19 =	sadd.s32 s23, s20;
	(pc) =	sbr.rel @p1 .LBB1_3-.Ltmp3, $4  }
0x56: {  	v3 =	vld [tilespmem:s18+$0x10];
	[tilespmem:s19+$0x3870 ss:$0x81] =	vst.msk $0xffff, v0  }
0x57: {  	[tilespmem:s19+$0x810 ss:$0x81] =	vst.msk $0xffff, v5;
	v2 =	vld [tilespmem:s18+$0x20]  }
0x58: {  	v1 =	vld [tilespmem:s18+$0xFFFFFFC0];
	[tilespmem:s19+$0x1020 ss:$0x81] =	vst.msk $0xffff, v6;
	s18 =	sadd.s32 $0x80, s18  }
0x59: {  	s22 =	sadd.s32 $0x4, s22;
	v0 =	vld [tilespmem:s18+$0x30];
	[tilespmem:s19+$0x1830 ss:$0x81] =	vst.msk $0xffff, v7  }
.Ltmp4:
0x5a: {  	_ = 	snop;
	(pc) =	sbr.rel .LBB1_4-.Ltmp4, $1  }
0x5b: {  	_ =	sdelay $0x3  }
.LBB1_6:
0x5c: {  	_ =	sfence.sel $0x180000  }
0x5d: {  	s1 =	simm.s32 $0x1;
	[bflag:$0x0] =	sbarrier.arrive $0xFFFF  }
0x5e: {  	s31 =	simm.s32 $0x2;
	[sflag:s1] =	ssyncpa.u1 $0x1  }
0x5f: {  	[sflag:s31] =	ssyncpa.u1 $0x1  }
0x60: {  	p0 =	sne.s32 s0, $0x0;
	_ =	strace $0x90000047  }
0x61: {  	s0 =	sadd.s32 @!p0 $0x100000, s2;
	[bflag:$0x2] =	sbarrier.arrive $0xFFFF  }
0x62: {  	[sflag:s0] =	ssyncadd.tile.s32 @!p0 $0x1;
	_ =	shalt  }
.Lfunc_end1:
_tile_overlayer_lowered:
.L_overlay_start_2:
0x63: {  	(tag) =	ssettag $0x2  }
0x64: {  	s0 =	rddreg [dreg:$0x0];
	s2 =	stileid.u32  }
0x65: {  	s1 =	rddreg [dreg:$0x1];
	p0 =	sne.s32 s2, $0x0  }
0x66: {  	s3 =	rddreg [dreg:$0x2];
	[bflag:$0x3] =	sbarrier.arrive $0xFFFF;
	s2 =	simm.s32 @!p0 $0x1C01  }
0x67: {  	[timem:s3], [sflag:s2] =	dma.local @!p0 [hbm:s0], s1  }
0x68: {  	s0 =	simm.s32 @!p0 $0x1  }
0x69: {  	_ =	swait.ge @!p0 [sflag:s0], s1  }
0x6a: {  	s1 =	ssub.s32 @!p0 $0x0, s1;
	[sflag:s0] =	ssyncset.done @!p0 $0x0  }
0x6b: {  	[sflag:s0] =	ssyncadd.s32 @!p0 s1  }
0x6c: {  	[bflag:$0x3] =	sbarrier.arrive $0xFFFF  }
0x6d: {  	_ =	shalt  }

</sc_bundles>
